<compile_context>
chip_gen: v7x
topology: tpu7x:2x2x1
jax: 0.10.2.dev20260603
libtpu: 0.0.44.dev20260713+nightly
codegen_flags: <defaults>
</compile_context>

<pallas_src>
import functools

import jax
import jax.numpy as jnp
from jax import lax
from jax.experimental import pallas as pl
from jax.experimental.pallas import tpu as pltpu
from jax.experimental.pallas import tpu_sc as plsc

D_MODEL = 128
TABLE_ROWS = 367
CHUNK = 64
NBUF = 8


@functools.cache
def _build(num_rows: int):
    info = plsc.get_sparse_core_info()
    nc, ns = info.num_cores, info.num_subcores
    nw = nc * ns
    assert num_rows % (nw * CHUNK * NBUF) == 0
    chunks_per_w = num_rows // (nw * CHUNK)
    rows_per_w = chunks_per_w * CHUNK
    ngroups = chunks_per_w // NBUF

    mesh = plsc.VectorSubcoreMesh(core_axis_name="c", subcore_axis_name="s")

    @functools.partial(
        pl.kernel,
        out_type=jax.ShapeDtypeStruct((num_rows, D_MODEL), jnp.float32),
        mesh=mesh,
        scratch_types=[
            pltpu.VMEM_SHARED((TABLE_ROWS, D_MODEL), jnp.float32),
            pltpu.VMEM((chunks_per_w, CHUNK), jnp.int32),
            [pltpu.VMEM((CHUNK, D_MODEL), jnp.float32) for _ in range(NBUF)],
            [pltpu.SemaphoreType.DMA for _ in range(NBUF)],
            [pltpu.SemaphoreType.DMA for _ in range(NBUF)],
        ],
    )
    def gather_kernel(pe_hbm, idx_hbm, out_hbm, tbl_sp, idx_v, rows, gsem, ssem):
        wid = lax.axis_index("s") * nc + lax.axis_index("c")
        base = wid * rows_per_w

        @pl.when(lax.axis_index("s") == 0)
        def _stage():
            pltpu.sync_copy(pe_hbm, tbl_sp)

        pltpu.sync_copy(idx_hbm.at[wid], idx_v)
        plsc.subcore_barrier()

        def gather(c, b):
            pltpu.async_copy(tbl_sp.at[idx_v.at[c]], rows[b], gsem[b])

        def wait_gather(b):
            pltpu.make_async_copy(tbl_sp.at[idx_v.at[0]], rows[b], gsem[b]).wait()

        def scatter(c, b):
            pltpu.async_copy(
                rows[b], out_hbm.at[pl.ds(base + c * CHUNK, CHUNK)], ssem[b]
            )

        def wait_scatter(b):
            pltpu.make_async_copy(
                rows[b], out_hbm.at[pl.ds(base, CHUNK)], ssem[b]
            ).wait()

        for b in range(NBUF):
            gather(b, b)

        def body(i, _):
            c0 = i * NBUF
            for b in range(NBUF):
                wait_gather(b)
                scatter(c0 + b, b)
            for b in range(NBUF):
                wait_scatter(b)
                gather(c0 + NBUF + b, b)
            return _

        lax.fori_loop(0, ngroups - 1, body, 0)

        for b in range(NBUF):
            wait_gather(b)
            scatter((ngroups - 1) * NBUF + b, b)
        for b in range(NBUF):
            wait_scatter(b)

    def run(pe, idx_flat):
        idx3 = idx_flat.reshape(nw, chunks_per_w, CHUNK)
        return gather_kernel(pe, idx3)

    return run


@jax.jit
def kernel(time, pe):
    b, l = time.shape
    idx_flat = time.astype(jnp.int32).reshape(b * l)
    out = _build(b * l)(pe, idx_flat)
    return out.reshape(b, l, D_MODEL)

# --- scband reference (transcript-rebuilt; emitter-appended) ---
"""Pipeline reference for scband-positional-encoding-65137474011551 (READ-ONLY COPY).

The authoritative reference and input builder live on the scoring server;
editing this copy changes nothing except your own understanding.
"""

import jax, jax.numpy as jnp
import numpy as np
import math

D_MODEL = 128
MAX_LEN = 366
BATCH = 4096
SEQ = 200

def build_pe():
    pe = np.zeros((MAX_LEN + 1, D_MODEL), dtype=np.float32)
    position = np.arange(0, MAX_LEN, dtype=np.float32)[:, None]
    div_term = np.exp(np.arange(0, D_MODEL, 2, dtype=np.float32) * -(math.log(10000.0) / D_MODEL))
    pe[1:, 0::2] = np.sin(position * div_term)
    pe[1:, 1::2] = np.cos(position * div_term)
    return jnp.asarray(pe)

def setup_inputs(seed: int = 0) -> dict:
    key = jax.random.key(seed)
    k_time, _ = jax.random.split(key)
    time = jax.random.randint(k_time, (BATCH, SEQ), 0, MAX_LEN + 1, dtype=jnp.int64 if jax.config.jax_enable_x64 else jnp.int32)
    pe = build_pe()
    return {"time": time, "pe": pe}

def reference(time, pe):
    # torch.stack([torch.index_select(pe, 0, time[i]) for i in range(B)], dim=0)
    # == batched row-gather from the positional table
    output = jnp.take(pe, time, axis=0)  # [B, L, d_model]
    return output

if __name__ == "__main__":
    import jax
    _d = setup_inputs()
    print(jax.jit(kernel)(*tuple(_d.values())))

</pallas_src>

<mosaic_0001>
#map = affine_map<(d0, d1) -> (0, 0)>
#map1 = affine_map<(d0, d1) -> (0, 0, 0)>
module attributes {stable_mosaic.version = 14 : i64} {
  func.func @gather_kernel(%arg0: i32, %arg1: i32, %arg2: memref<367x128xf32, #tpu.memory_space<hbm>>, %arg3: memref<32x400x64xi32, #tpu.memory_space<hbm>>, %arg4: memref<819200x128xf32, #tpu.memory_space<hbm>>, %arg5: memref<367x128xf32, #tpu.memory_space<vmem_shared>>, %arg6: memref<400x64xi32, #tpu.memory_space<vmem>>, %arg7: memref<64x128xf32, #tpu.memory_space<vmem>>, %arg8: memref<64x128xf32, #tpu.memory_space<vmem>>, %arg9: memref<64x128xf32, #tpu.memory_space<vmem>>, %arg10: memref<64x128xf32, #tpu.memory_space<vmem>>, %arg11: memref<64x128xf32, #tpu.memory_space<vmem>>, %arg12: memref<64x128xf32, #tpu.memory_space<vmem>>, %arg13: memref<64x128xf32, #tpu.memory_space<vmem>>, %arg14: memref<64x128xf32, #tpu.memory_space<vmem>>, %arg15: memref<!tpu.dma_semaphore, #tpu.memory_space<semaphore_mem>>, %arg16: memref<!tpu.dma_semaphore, #tpu.memory_space<semaphore_mem>>, %arg17: memref<!tpu.dma_semaphore, #tpu.memory_space<semaphore_mem>>, %arg18: memref<!tpu.dma_semaphore, #tpu.memory_space<semaphore_mem>>, %arg19: memref<!tpu.dma_semaphore, #tpu.memory_space<semaphore_mem>>, %arg20: memref<!tpu.dma_semaphore, #tpu.memory_space<semaphore_mem>>, %arg21: memref<!tpu.dma_semaphore, #tpu.memory_space<semaphore_mem>>, %arg22: memref<!tpu.dma_semaphore, #tpu.memory_space<semaphore_mem>>, %arg23: memref<!tpu.dma_semaphore, #tpu.memory_space<semaphore_mem>>, %arg24: memref<!tpu.dma_semaphore, #tpu.memory_space<semaphore_mem>>, %arg25: memref<!tpu.dma_semaphore, #tpu.memory_space<semaphore_mem>>, %arg26: memref<!tpu.dma_semaphore, #tpu.memory_space<semaphore_mem>>, %arg27: memref<!tpu.dma_semaphore, #tpu.memory_space<semaphore_mem>>, %arg28: memref<!tpu.dma_semaphore, #tpu.memory_space<semaphore_mem>>, %arg29: memref<!tpu.dma_semaphore, #tpu.memory_space<semaphore_mem>>, %arg30: memref<!tpu.dma_semaphore, #tpu.memory_space<semaphore_mem>>) attributes {dimension_semantics = [#tpu.dimension_semantics<core_parallel>, #tpu.dimension_semantics<subcore_parallel>], iteration_bounds = array<i64: 2, 16>, scalar_prefetch = 0 : i64, scratch_operands = 26 : i64, tpu.core_type = #tpu.core_type<sc_vector_subcore>, window_params = [{transform_indices = #map}, {transform_indices = #map1}, {transform_indices = #map}]} {
    %mul3A = arith.constant 2 : i32
    %mul3A_0 = arith.muli %arg1, %mul3A : i32
    %add3A = arith.addi %mul3A_0, %arg0 : i32
    %mul3A_1 = arith.constant 25600 : i32
    %mul3A_2 = arith.muli %add3A, %mul3A_1 : i32
    %eq3A = arith.constant 0 : i32
    %eq3A_3 = arith.cmpi eq, %arg1, %eq3A : i32
    %convert_element_type3A = arith.extui %eq3A_3 : i1 to i32
    %cond3A = arith.constant 0 : i32
    %cond3A_4 = arith.cmpi ne, %convert_element_type3A, %cond3A : i32
    scf.if %cond3A_4 {
      "tpu.region"() ({
        %run_scoped3A = tpu.sem_alloc : memref<!tpu.dma_semaphore, #tpu.memory_space<semaphore_mem>>
        tpu.enqueue_dma source(%arg2 : memref<367x128xf32, #tpu.memory_space<hbm>>) target(%arg5 : memref<367x128xf32, #tpu.memory_space<vmem_shared>>) target_semaphore(%run_scoped3A : memref<!tpu.dma_semaphore, #tpu.memory_space<semaphore_mem>>)
        tpu.wait_dma2 semaphore(%run_scoped3A : memref<!tpu.dma_semaphore, #tpu.memory_space<semaphore_mem>>) src(%arg2 : memref<367x128xf32, #tpu.memory_space<hbm>>) dst(%arg5 : memref<367x128xf32, #tpu.memory_space<vmem_shared>>)
        tpu.yield
      }) : () -> ()
    } else {
    }
    "tpu.region"() ({
      %run_scoped3A = tpu.sem_alloc : memref<!tpu.dma_semaphore, #tpu.memory_space<semaphore_mem>>
      %dma_start3A_200 = arith.constant 0 : i32
      %dma_start3A_201 = arith.constant 0 : i32
      %dma_start3A_202 = tpu.memref_slice %arg3[%add3A, %dma_start3A_200, %dma_start3A_201] : memref<32x400x64xi32, #tpu.memory_space<hbm>> -> memref<1x400x64xi32, #tpu.memory_space<hbm>>
      %dma_start3A_203 = tpu.memref_squeeze %dma_start3A_202 : memref<1x400x64xi32, #tpu.memory_space<hbm>> -> memref<400x64xi32, #tpu.memory_space<hbm>>
      %dma_start3A_204 = arith.constant 0 : i32
      %dma_start3A_205 = arith.constant 0 : i32
      %dma_start3A_206 = tpu.memref_slice %arg3[%add3A, %dma_start3A_204, %dma_start3A_205] : memref<32x400x64xi32, #tpu.memory_space<hbm>> -> memref<1x400x64xi32, #tpu.memory_space<hbm>>
      %dma_start3A_207 = tpu.memref_squeeze %dma_start3A_206 : memref<1x400x64xi32, #tpu.memory_space<hbm>> -> memref<400x64xi32, #tpu.memory_space<hbm>>
      tpu.enqueue_dma source(%dma_start3A_207 : memref<400x64xi32, #tpu.memory_space<hbm>>) target(%arg6 : memref<400x64xi32, #tpu.memory_space<vmem>>) target_semaphore(%run_scoped3A : memref<!tpu.dma_semaphore, #tpu.memory_space<semaphore_mem>>)
      %dma_wait3A_208 = arith.constant 0 : i32
      %dma_wait3A_209 = arith.constant 0 : i32
      %dma_wait3A_210 = tpu.memref_slice %arg3[%add3A, %dma_wait3A_208, %dma_wait3A_209] : memref<32x400x64xi32, #tpu.memory_space<hbm>> -> memref<1x400x64xi32, #tpu.memory_space<hbm>>
      %dma_wait3A_211 = tpu.memref_squeeze %dma_wait3A_210 : memref<1x400x64xi32, #tpu.memory_space<hbm>> -> memref<400x64xi32, #tpu.memory_space<hbm>>
      %dma_wait3A_212 = arith.constant 0 : i32
      %dma_wait3A_213 = arith.constant 0 : i32
      %dma_wait3A_214 = tpu.memref_slice %arg3[%add3A, %dma_wait3A_212, %dma_wait3A_213] : memref<32x400x64xi32, #tpu.memory_space<hbm>> -> memref<1x400x64xi32, #tpu.memory_space<hbm>>
      %dma_wait3A_215 = tpu.memref_squeeze %dma_wait3A_214 : memref<1x400x64xi32, #tpu.memory_space<hbm>> -> memref<400x64xi32, #tpu.memory_space<hbm>>
      tpu.wait_dma2 semaphore(%run_scoped3A : memref<!tpu.dma_semaphore, #tpu.memory_space<semaphore_mem>>) src(%dma_wait3A_215 : memref<400x64xi32, #tpu.memory_space<hbm>>) dst(%arg6 : memref<400x64xi32, #tpu.memory_space<vmem>>)
      tpu.yield
    }) : () -> ()
    %barrier3A = arith.constant 0 : index
    tpu.barrier barrier_id(%barrier3A)
    %dma_start3A = arith.constant 0 : i32
    %dma_start3A_5 = arith.constant 0 : i32
    %dma_start3A_6 = tpu.memref_slice %arg6[%dma_start3A, %dma_start3A_5] : memref<400x64xi32, #tpu.memory_space<vmem>> -> memref<1x64xi32, #tpu.memory_space<vmem>>
    %dma_start3A_7 = tpu.memref_squeeze %dma_start3A_6 : memref<1x64xi32, #tpu.memory_space<vmem>> -> memref<64xi32, #tpu.memory_space<vmem>>
    %dma_start3A_8 = arith.constant 0 : i32
    %dma_start3A_9 = arith.constant 0 : i32
    %dma_start3A_10 = tpu.memref_slice %arg5[%dma_start3A_8, %dma_start3A_9] : memref<367x128xf32, #tpu.memory_space<vmem_shared>> -> memref<367x128xf32, #tpu.memory_space<vmem_shared>>
    tpu.enqueue_indirect_dma source(%dma_start3A_10 : memref<367x128xf32, #tpu.memory_space<vmem_shared>>) target(%arg7 : memref<64x128xf32, #tpu.memory_space<vmem>>) offsets(%dma_start3A_7 : memref<64xi32, #tpu.memory_space<vmem>>) semaphore(%arg15 : memref<!tpu.dma_semaphore, #tpu.memory_space<semaphore_mem>>)
    %dma_start3A_11 = arith.constant 1 : i32
    %dma_start3A_12 = arith.constant 0 : i32
    %dma_start3A_13 = tpu.memref_slice %arg6[%dma_start3A_11, %dma_start3A_12] : memref<400x64xi32, #tpu.memory_space<vmem>> -> memref<1x64xi32, #tpu.memory_space<vmem>>
    %dma_start3A_14 = tpu.memref_squeeze %dma_start3A_13 : memref<1x64xi32, #tpu.memory_space<vmem>> -> memref<64xi32, #tpu.memory_space<vmem>>
    %dma_start3A_15 = arith.constant 0 : i32
    %dma_start3A_16 = arith.constant 0 : i32
    %dma_start3A_17 = tpu.memref_slice %arg5[%dma_start3A_15, %dma_start3A_16] : memref<367x128xf32, #tpu.memory_space<vmem_shared>> -> memref<367x128xf32, #tpu.memory_space<vmem_shared>>
    tpu.enqueue_indirect_dma source(%dma_start3A_17 : memref<367x128xf32, #tpu.memory_space<vmem_shared>>) target(%arg8 : memref<64x128xf32, #tpu.memory_space<vmem>>) offsets(%dma_start3A_14 : memref<64xi32, #tpu.memory_space<vmem>>) semaphore(%arg16 : memref<!tpu.dma_semaphore, #tpu.memory_space<semaphore_mem>>)
    %dma_start3A_18 = arith.constant 2 : i32
    %dma_start3A_19 = arith.constant 0 : i32
    %dma_start3A_20 = tpu.memref_slice %arg6[%dma_start3A_18, %dma_start3A_19] : memref<400x64xi32, #tpu.memory_space<vmem>> -> memref<1x64xi32, #tpu.memory_space<vmem>>
    %dma_start3A_21 = tpu.memref_squeeze %dma_start3A_20 : memref<1x64xi32, #tpu.memory_space<vmem>> -> memref<64xi32, #tpu.memory_space<vmem>>
    %dma_start3A_22 = arith.constant 0 : i32
    %dma_start3A_23 = arith.constant 0 : i32
    %dma_start3A_24 = tpu.memref_slice %arg5[%dma_start3A_22, %dma_start3A_23] : memref<367x128xf32, #tpu.memory_space<vmem_shared>> -> memref<367x128xf32, #tpu.memory_space<vmem_shared>>
    tpu.enqueue_indirect_dma source(%dma_start3A_24 : memref<367x128xf32, #tpu.memory_space<vmem_shared>>) target(%arg9 : memref<64x128xf32, #tpu.memory_space<vmem>>) offsets(%dma_start3A_21 : memref<64xi32, #tpu.memory_space<vmem>>) semaphore(%arg17 : memref<!tpu.dma_semaphore, #tpu.memory_space<semaphore_mem>>)
    %dma_start3A_25 = arith.constant 3 : i32
    %dma_start3A_26 = arith.constant 0 : i32
    %dma_start3A_27 = tpu.memref_slice %arg6[%dma_start3A_25, %dma_start3A_26] : memref<400x64xi32, #tpu.memory_space<vmem>> -> memref<1x64xi32, #tpu.memory_space<vmem>>
    %dma_start3A_28 = tpu.memref_squeeze %dma_start3A_27 : memref<1x64xi32, #tpu.memory_space<vmem>> -> memref<64xi32, #tpu.memory_space<vmem>>
    %dma_start3A_29 = arith.constant 0 : i32
    %dma_start3A_30 = arith.constant 0 : i32
    %dma_start3A_31 = tpu.memref_slice %arg5[%dma_start3A_29, %dma_start3A_30] : memref<367x128xf32, #tpu.memory_space<vmem_shared>> -> memref<367x128xf32, #tpu.memory_space<vmem_shared>>
    tpu.enqueue_indirect_dma source(%dma_start3A_31 : memref<367x128xf32, #tpu.memory_space<vmem_shared>>) target(%arg10 : memref<64x128xf32, #tpu.memory_space<vmem>>) offsets(%dma_start3A_28 : memref<64xi32, #tpu.memory_space<vmem>>) semaphore(%arg18 : memref<!tpu.dma_semaphore, #tpu.memory_space<semaphore_mem>>)
    %dma_start3A_32 = arith.constant 4 : i32
    %dma_start3A_33 = arith.constant 0 : i32
    %dma_start3A_34 = tpu.memref_slice %arg6[%dma_start3A_32, %dma_start3A_33] : memref<400x64xi32, #tpu.memory_space<vmem>> -> memref<1x64xi32, #tpu.memory_space<vmem>>
    %dma_start3A_35 = tpu.memref_squeeze %dma_start3A_34 : memref<1x64xi32, #tpu.memory_space<vmem>> -> memref<64xi32, #tpu.memory_space<vmem>>
    %dma_start3A_36 = arith.constant 0 : i32
    %dma_start3A_37 = arith.constant 0 : i32
    %dma_start3A_38 = tpu.memref_slice %arg5[%dma_start3A_36, %dma_start3A_37] : memref<367x128xf32, #tpu.memory_space<vmem_shared>> -> memref<367x128xf32, #tpu.memory_space<vmem_shared>>
    tpu.enqueue_indirect_dma source(%dma_start3A_38 : memref<367x128xf32, #tpu.memory_space<vmem_shared>>) target(%arg11 : memref<64x128xf32, #tpu.memory_space<vmem>>) offsets(%dma_start3A_35 : memref<64xi32, #tpu.memory_space<vmem>>) semaphore(%arg19 : memref<!tpu.dma_semaphore, #tpu.memory_space<semaphore_mem>>)
    %dma_start3A_39 = arith.constant 5 : i32
    %dma_start3A_40 = arith.constant 0 : i32
    %dma_start3A_41 = tpu.memref_slice %arg6[%dma_start3A_39, %dma_start3A_40] : memref<400x64xi32, #tpu.memory_space<vmem>> -> memref<1x64xi32, #tpu.memory_space<vmem>>
    %dma_start3A_42 = tpu.memref_squeeze %dma_start3A_41 : memref<1x64xi32, #tpu.memory_space<vmem>> -> memref<64xi32, #tpu.memory_space<vmem>>
    %dma_start3A_43 = arith.constant 0 : i32
    %dma_start3A_44 = arith.constant 0 : i32
    %dma_start3A_45 = tpu.memref_slice %arg5[%dma_start3A_43, %dma_start3A_44] : memref<367x128xf32, #tpu.memory_space<vmem_shared>> -> memref<367x128xf32, #tpu.memory_space<vmem_shared>>
    tpu.enqueue_indirect_dma source(%dma_start3A_45 : memref<367x128xf32, #tpu.memory_space<vmem_shared>>) target(%arg12 : memref<64x128xf32, #tpu.memory_space<vmem>>) offsets(%dma_start3A_42 : memref<64xi32, #tpu.memory_space<vmem>>) semaphore(%arg20 : memref<!tpu.dma_semaphore, #tpu.memory_space<semaphore_mem>>)
    %dma_start3A_46 = arith.constant 6 : i32
    %dma_start3A_47 = arith.constant 0 : i32
    %dma_start3A_48 = tpu.memref_slice %arg6[%dma_start3A_46, %dma_start3A_47] : memref<400x64xi32, #tpu.memory_space<vmem>> -> memref<1x64xi32, #tpu.memory_space<vmem>>
    %dma_start3A_49 = tpu.memref_squeeze %dma_start3A_48 : memref<1x64xi32, #tpu.memory_space<vmem>> -> memref<64xi32, #tpu.memory_space<vmem>>
    %dma_start3A_50 = arith.constant 0 : i32
    %dma_start3A_51 = arith.constant 0 : i32
    %dma_start3A_52 = tpu.memref_slice %arg5[%dma_start3A_50, %dma_start3A_51] : memref<367x128xf32, #tpu.memory_space<vmem_shared>> -> memref<367x128xf32, #tpu.memory_space<vmem_shared>>
    tpu.enqueue_indirect_dma source(%dma_start3A_52 : memref<367x128xf32, #tpu.memory_space<vmem_shared>>) target(%arg13 : memref<64x128xf32, #tpu.memory_space<vmem>>) offsets(%dma_start3A_49 : memref<64xi32, #tpu.memory_space<vmem>>) semaphore(%arg21 : memref<!tpu.dma_semaphore, #tpu.memory_space<semaphore_mem>>)
    %dma_start3A_53 = arith.constant 7 : i32
    %dma_start3A_54 = arith.constant 0 : i32
    %dma_start3A_55 = tpu.memref_slice %arg6[%dma_start3A_53, %dma_start3A_54] : memref<400x64xi32, #tpu.memory_space<vmem>> -> memref<1x64xi32, #tpu.memory_space<vmem>>
    %dma_start3A_56 = tpu.memref_squeeze %dma_start3A_55 : memref<1x64xi32, #tpu.memory_space<vmem>> -> memref<64xi32, #tpu.memory_space<vmem>>
    %dma_start3A_57 = arith.constant 0 : i32
    %dma_start3A_58 = arith.constant 0 : i32
    %dma_start3A_59 = tpu.memref_slice %arg5[%dma_start3A_57, %dma_start3A_58] : memref<367x128xf32, #tpu.memory_space<vmem_shared>> -> memref<367x128xf32, #tpu.memory_space<vmem_shared>>
    tpu.enqueue_indirect_dma source(%dma_start3A_59 : memref<367x128xf32, #tpu.memory_space<vmem_shared>>) target(%arg14 : memref<64x128xf32, #tpu.memory_space<vmem>>) offsets(%dma_start3A_56 : memref<64xi32, #tpu.memory_space<vmem>>) semaphore(%arg22 : memref<!tpu.dma_semaphore, #tpu.memory_space<semaphore_mem>>)
    %scan3A = arith.constant 0 : i32
    %scan3A_60 = arith.constant 0 : i32
    %scan3A_61 = arith.constant 49 : i32
    %scan3A_62 = arith.addi %scan3A_60, %scan3A_61 : i32
    %scan3A_63 = arith.constant 1 : i32
    scf.for %scan3A_200 = %scan3A_60 to %scan3A_62 step %scan3A_63  : i32 {
      %mul3A_201 = arith.constant 8 : i32
      %mul3A_202 = arith.muli %scan3A_200, %mul3A_201 : i32
      %dma_wait3A_203 = arith.constant 0 : i32
      %dma_wait3A_204 = arith.constant 0 : i32
      %dma_wait3A_205 = tpu.memref_slice %arg6[%dma_wait3A_203, %dma_wait3A_204] : memref<400x64xi32, #tpu.memory_space<vmem>> -> memref<1x64xi32, #tpu.memory_space<vmem>>
      %dma_wait3A_206 = tpu.memref_squeeze %dma_wait3A_205 : memref<1x64xi32, #tpu.memory_space<vmem>> -> memref<64xi32, #tpu.memory_space<vmem>>
      %dma_wait3A_207 = arith.constant 0 : i32
      %dma_wait3A_208 = arith.constant 0 : i32
      %dma_wait3A_209 = tpu.memref_slice %arg5[%dma_wait3A_207, %dma_wait3A_208] : memref<367x128xf32, #tpu.memory_space<vmem_shared>> -> memref<367x128xf32, #tpu.memory_space<vmem_shared>>
      tpu.wait_indirect_dma semaphore(%arg15 : memref<!tpu.dma_semaphore, #tpu.memory_space<semaphore_mem>>) src(%dma_wait3A_209 : memref<367x128xf32, #tpu.memory_space<vmem_shared>>) dst(%arg7 : memref<64x128xf32, #tpu.memory_space<vmem>>)
      %add3A_210 = arith.constant 0 : i32
      %add3A_211 = arith.addi %mul3A_202, %add3A_210 : i32
      %mul3A_212 = arith.constant 64 : i32
      %mul3A_213 = arith.muli %add3A_211, %mul3A_212 : i32
      %add3A_214 = arith.addi %mul3A_2, %mul3A_213 : i32
      %dma_start3A_215 = arith.constant 0 : i32
      %dma_start3A_216 = tpu.memref_slice %arg4[%add3A_214, %dma_start3A_215] : memref<819200x128xf32, #tpu.memory_space<hbm>> -> memref<64x128xf32, #tpu.memory_space<hbm>>
      %dma_start3A_217 = arith.constant 0 : i32
      %dma_start3A_218 = tpu.memref_slice %arg4[%add3A_214, %dma_start3A_217] : memref<819200x128xf32, #tpu.memory_space<hbm>> -> memref<64x128xf32, #tpu.memory_space<hbm>>
      tpu.enqueue_dma source(%arg7 : memref<64x128xf32, #tpu.memory_space<vmem>>) target(%dma_start3A_218 : memref<64x128xf32, #tpu.memory_space<hbm>>) target_semaphore(%arg23 : memref<!tpu.dma_semaphore, #tpu.memory_space<semaphore_mem>>)
      %dma_wait3A_219 = arith.constant 0 : i32
      %dma_wait3A_220 = arith.constant 0 : i32
      %dma_wait3A_221 = tpu.memref_slice %arg6[%dma_wait3A_219, %dma_wait3A_220] : memref<400x64xi32, #tpu.memory_space<vmem>> -> memref<1x64xi32, #tpu.memory_space<vmem>>
      %dma_wait3A_222 = tpu.memref_squeeze %dma_wait3A_221 : memref<1x64xi32, #tpu.memory_space<vmem>> -> memref<64xi32, #tpu.memory_space<vmem>>
      %dma_wait3A_223 = arith.constant 0 : i32
      %dma_wait3A_224 = arith.constant 0 : i32
      %dma_wait3A_225 = tpu.memref_slice %arg5[%dma_wait3A_223, %dma_wait3A_224] : memref<367x128xf32, #tpu.memory_space<vmem_shared>> -> memref<367x128xf32, #tpu.memory_space<vmem_shared>>
      tpu.wait_indirect_dma semaphore(%arg16 : memref<!tpu.dma_semaphore, #tpu.memory_space<semaphore_mem>>) src(%dma_wait3A_225 : memref<367x128xf32, #tpu.memory_space<vmem_shared>>) dst(%arg8 : memref<64x128xf32, #tpu.memory_space<vmem>>)
      %add3A_226 = arith.constant 1 : i32
      %add3A_227 = arith.addi %mul3A_202, %add3A_226 : i32
      %mul3A_228 = arith.constant 64 : i32
      %mul3A_229 = arith.muli %add3A_227, %mul3A_228 : i32
      %add3A_230 = arith.addi %mul3A_2, %mul3A_229 : i32
      %dma_start3A_231 = arith.constant 0 : i32
      %dma_start3A_232 = tpu.memref_slice %arg4[%add3A_230, %dma_start3A_231] : memref<819200x128xf32, #tpu.memory_space<hbm>> -> memref<64x128xf32, #tpu.memory_space<hbm>>
      %dma_start3A_233 = arith.constant 0 : i32
      %dma_start3A_234 = tpu.memref_slice %arg4[%add3A_230, %dma_start3A_233] : memref<819200x128xf32, #tpu.memory_space<hbm>> -> memref<64x128xf32, #tpu.memory_space<hbm>>
      tpu.enqueue_dma source(%arg8 : memref<64x128xf32, #tpu.memory_space<vmem>>) target(%dma_start3A_234 : memref<64x128xf32, #tpu.memory_space<hbm>>) target_semaphore(%arg24 : memref<!tpu.dma_semaphore, #tpu.memory_space<semaphore_mem>>)
      %dma_wait3A_235 = arith.constant 0 : i32
      %dma_wait3A_236 = arith.constant 0 : i32
      %dma_wait3A_237 = tpu.memref_slice %arg6[%dma_wait3A_235, %dma_wait3A_236] : memref<400x64xi32, #tpu.memory_space<vmem>> -> memref<1x64xi32, #tpu.memory_space<vmem>>
      %dma_wait3A_238 = tpu.memref_squeeze %dma_wait3A_237 : memref<1x64xi32, #tpu.memory_space<vmem>> -> memref<64xi32, #tpu.memory_space<vmem>>
      %dma_wait3A_239 = arith.constant 0 : i32
      %dma_wait3A_240 = arith.constant 0 : i32
      %dma_wait3A_241 = tpu.memref_slice %arg5[%dma_wait3A_239, %dma_wait3A_240] : memref<367x128xf32, #tpu.memory_space<vmem_shared>> -> memref<367x128xf32, #tpu.memory_space<vmem_shared>>
      tpu.wait_indirect_dma semaphore(%arg17 : memref<!tpu.dma_semaphore, #tpu.memory_space<semaphore_mem>>) src(%dma_wait3A_241 : memref<367x128xf32, #tpu.memory_space<vmem_shared>>) dst(%arg9 : memref<64x128xf32, #tpu.memory_space<vmem>>)
      %add3A_242 = arith.constant 2 : i32
      %add3A_243 = arith.addi %mul3A_202, %add3A_242 : i32
      %mul3A_244 = arith.constant 64 : i32
      %mul3A_245 = arith.muli %add3A_243, %mul3A_244 : i32
      %add3A_246 = arith.addi %mul3A_2, %mul3A_245 : i32
      %dma_start3A_247 = arith.constant 0 : i32
      %dma_start3A_248 = tpu.memref_slice %arg4[%add3A_246, %dma_start3A_247] : memref<819200x128xf32, #tpu.memory_space<hbm>> -> memref<64x128xf32, #tpu.memory_space<hbm>>
      %dma_start3A_249 = arith.constant 0 : i32
      %dma_start3A_250 = tpu.memref_slice %arg4[%add3A_246, %dma_start3A_249] : memref<819200x128xf32, #tpu.memory_space<hbm>> -> memref<64x128xf32, #tpu.memory_space<hbm>>
      tpu.enqueue_dma source(%arg9 : memref<64x128xf32, #tpu.memory_space<vmem>>) target(%dma_start3A_250 : memref<64x128xf32, #tpu.memory_space<hbm>>) target_semaphore(%arg25 : memref<!tpu.dma_semaphore, #tpu.memory_space<semaphore_mem>>)
      %dma_wait3A_251 = arith.constant 0 : i32
      %dma_wait3A_252 = arith.constant 0 : i32
      %dma_wait3A_253 = tpu.memref_slice %arg6[%dma_wait3A_251, %dma_wait3A_252] : memref<400x64xi32, #tpu.memory_space<vmem>> -> memref<1x64xi32, #tpu.memory_space<vmem>>
      %dma_wait3A_254 = tpu.memref_squeeze %dma_wait3A_253 : memref<1x64xi32, #tpu.memory_space<vmem>> -> memref<64xi32, #tpu.memory_space<vmem>>
      %dma_wait3A_255 = arith.constant 0 : i32
      %dma_wait3A_256 = arith.constant 0 : i32
      %dma_wait3A_257 = tpu.memref_slice %arg5[%dma_wait3A_255, %dma_wait3A_256] : memref<367x128xf32, #tpu.memory_space<vmem_shared>> -> memref<367x128xf32, #tpu.memory_space<vmem_shared>>
      tpu.wait_indirect_dma semaphore(%arg18 : memref<!tpu.dma_semaphore, #tpu.memory_space<semaphore_mem>>) src(%dma_wait3A_257 : memref<367x128xf32, #tpu.memory_space<vmem_shared>>) dst(%arg10 : memref<64x128xf32, #tpu.memory_space<vmem>>)
      %add3A_258 = arith.constant 3 : i32
      %add3A_259 = arith.addi %mul3A_202, %add3A_258 : i32
      %mul3A_260 = arith.constant 64 : i32
      %mul3A_261 = arith.muli %add3A_259, %mul3A_260 : i32
      %add3A_262 = arith.addi %mul3A_2, %mul3A_261 : i32
      %dma_start3A_263 = arith.constant 0 : i32
      %dma_start3A_264 = tpu.memref_slice %arg4[%add3A_262, %dma_start3A_263] : memref<819200x128xf32, #tpu.memory_space<hbm>> -> memref<64x128xf32, #tpu.memory_space<hbm>>
      %dma_start3A_265 = arith.constant 0 : i32
      %dma_start3A_266 = tpu.memref_slice %arg4[%add3A_262, %dma_start3A_265] : memref<819200x128xf32, #tpu.memory_space<hbm>> -> memref<64x128xf32, #tpu.memory_space<hbm>>
      tpu.enqueue_dma source(%arg10 : memref<64x128xf32, #tpu.memory_space<vmem>>) target(%dma_start3A_266 : memref<64x128xf32, #tpu.memory_space<hbm>>) target_semaphore(%arg26 : memref<!tpu.dma_semaphore, #tpu.memory_space<semaphore_mem>>)
      %dma_wait3A_267 = arith.constant 0 : i32
      %dma_wait3A_268 = arith.constant 0 : i32
      %dma_wait3A_269 = tpu.memref_slice %arg6[%dma_wait3A_267, %dma_wait3A_268] : memref<400x64xi32, #tpu.memory_space<vmem>> -> memref<1x64xi32, #tpu.memory_space<vmem>>
      %dma_wait3A_270 = tpu.memref_squeeze %dma_wait3A_269 : memref<1x64xi32, #tpu.memory_space<vmem>> -> memref<64xi32, #tpu.memory_space<vmem>>
      %dma_wait3A_271 = arith.constant 0 : i32
      %dma_wait3A_272 = arith.constant 0 : i32
      %dma_wait3A_273 = tpu.memref_slice %arg5[%dma_wait3A_271, %dma_wait3A_272] : memref<367x128xf32, #tpu.memory_space<vmem_shared>> -> memref<367x128xf32, #tpu.memory_space<vmem_shared>>
      tpu.wait_indirect_dma semaphore(%arg19 : memref<!tpu.dma_semaphore, #tpu.memory_space<semaphore_mem>>) src(%dma_wait3A_273 : memref<367x128xf32, #tpu.memory_space<vmem_shared>>) dst(%arg11 : memref<64x128xf32, #tpu.memory_space<vmem>>)
      %add3A_274 = arith.constant 4 : i32
      %add3A_275 = arith.addi %mul3A_202, %add3A_274 : i32
      %mul3A_276 = arith.constant 64 : i32
      %mul3A_277 = arith.muli %add3A_275, %mul3A_276 : i32
      %add3A_278 = arith.addi %mul3A_2, %mul3A_277 : i32
      %dma_start3A_279 = arith.constant 0 : i32
      %dma_start3A_280 = tpu.memref_slice %arg4[%add3A_278, %dma_start3A_279] : memref<819200x128xf32, #tpu.memory_space<hbm>> -> memref<64x128xf32, #tpu.memory_space<hbm>>
      %dma_start3A_281 = arith.constant 0 : i32
      %dma_start3A_282 = tpu.memref_slice %arg4[%add3A_278, %dma_start3A_281] : memref<819200x128xf32, #tpu.memory_space<hbm>> -> memref<64x128xf32, #tpu.memory_space<hbm>>
      tpu.enqueue_dma source(%arg11 : memref<64x128xf32, #tpu.memory_space<vmem>>) target(%dma_start3A_282 : memref<64x128xf32, #tpu.memory_space<hbm>>) target_semaphore(%arg27 : memref<!tpu.dma_semaphore, #tpu.memory_space<semaphore_mem>>)
      %dma_wait3A_283 = arith.constant 0 : i32
      %dma_wait3A_284 = arith.constant 0 : i32
      %dma_wait3A_285 = tpu.memref_slice %arg6[%dma_wait3A_283, %dma_wait3A_284] : memref<400x64xi32, #tpu.memory_space<vmem>> -> memref<1x64xi32, #tpu.memory_space<vmem>>
      %dma_wait3A_286 = tpu.memref_squeeze %dma_wait3A_285 : memref<1x64xi32, #tpu.memory_space<vmem>> -> memref<64xi32, #tpu.memory_space<vmem>>
      %dma_wait3A_287 = arith.constant 0 : i32
      %dma_wait3A_288 = arith.constant 0 : i32
      %dma_wait3A_289 = tpu.memref_slice %arg5[%dma_wait3A_287, %dma_wait3A_288] : memref<367x128xf32, #tpu.memory_space<vmem_shared>> -> memref<367x128xf32, #tpu.memory_space<vmem_shared>>
      tpu.wait_indirect_dma semaphore(%arg20 : memref<!tpu.dma_semaphore, #tpu.memory_space<semaphore_mem>>) src(%dma_wait3A_289 : memref<367x128xf32, #tpu.memory_space<vmem_shared>>) dst(%arg12 : memref<64x128xf32, #tpu.memory_space<vmem>>)
      %add3A_290 = arith.constant 5 : i32
      %add3A_291 = arith.addi %mul3A_202, %add3A_290 : i32
      %mul3A_292 = arith.constant 64 : i32
      %mul3A_293 = arith.muli %add3A_291, %mul3A_292 : i32
      %add3A_294 = arith.addi %mul3A_2, %mul3A_293 : i32
      %dma_start3A_295 = arith.constant 0 : i32
      %dma_start3A_296 = tpu.memref_slice %arg4[%add3A_294, %dma_start3A_295] : memref<819200x128xf32, #tpu.memory_space<hbm>> -> memref<64x128xf32, #tpu.memory_space<hbm>>
      %dma_start3A_297 = arith.constant 0 : i32
      %dma_start3A_298 = tpu.memref_slice %arg4[%add3A_294, %dma_start3A_297] : memref<819200x128xf32, #tpu.memory_space<hbm>> -> memref<64x128xf32, #tpu.memory_space<hbm>>
      tpu.enqueue_dma source(%arg12 : memref<64x128xf32, #tpu.memory_space<vmem>>) target(%dma_start3A_298 : memref<64x128xf32, #tpu.memory_space<hbm>>) target_semaphore(%arg28 : memref<!tpu.dma_semaphore, #tpu.memory_space<semaphore_mem>>)
      %dma_wait3A_299 = arith.constant 0 : i32
      %dma_wait3A_300 = arith.constant 0 : i32
      %dma_wait3A_301 = tpu.memref_slice %arg6[%dma_wait3A_299, %dma_wait3A_300] : memref<400x64xi32, #tpu.memory_space<vmem>> -> memref<1x64xi32, #tpu.memory_space<vmem>>
      %dma_wait3A_302 = tpu.memref_squeeze %dma_wait3A_301 : memref<1x64xi32, #tpu.memory_space<vmem>> -> memref<64xi32, #tpu.memory_space<vmem>>
      %dma_wait3A_303 = arith.constant 0 : i32
      %dma_wait3A_304 = arith.constant 0 : i32
      %dma_wait3A_305 = tpu.memref_slice %arg5[%dma_wait3A_303, %dma_wait3A_304] : memref<367x128xf32, #tpu.memory_space<vmem_shared>> -> memref<367x128xf32, #tpu.memory_space<vmem_shared>>
      tpu.wait_indirect_dma semaphore(%arg21 : memref<!tpu.dma_semaphore, #tpu.memory_space<semaphore_mem>>) src(%dma_wait3A_305 : memref<367x128xf32, #tpu.memory_space<vmem_shared>>) dst(%arg13 : memref<64x128xf32, #tpu.memory_space<vmem>>)
      %add3A_306 = arith.constant 6 : i32
      %add3A_307 = arith.addi %mul3A_202, %add3A_306 : i32
      %mul3A_308 = arith.constant 64 : i32
      %mul3A_309 = arith.muli %add3A_307, %mul3A_308 : i32
      %add3A_310 = arith.addi %mul3A_2, %mul3A_309 : i32
      %dma_start3A_311 = arith.constant 0 : i32
      %dma_start3A_312 = tpu.memref_slice %arg4[%add3A_310, %dma_start3A_311] : memref<819200x128xf32, #tpu.memory_space<hbm>> -> memref<64x128xf32, #tpu.memory_space<hbm>>
      %dma_start3A_313 = arith.constant 0 : i32
      %dma_start3A_314 = tpu.memref_slice %arg4[%add3A_310, %dma_start3A_313] : memref<819200x128xf32, #tpu.memory_space<hbm>> -> memref<64x128xf32, #tpu.memory_space<hbm>>
      tpu.enqueue_dma source(%arg13 : memref<64x128xf32, #tpu.memory_space<vmem>>) target(%dma_start3A_314 : memref<64x128xf32, #tpu.memory_space<hbm>>) target_semaphore(%arg29 : memref<!tpu.dma_semaphore, #tpu.memory_space<semaphore_mem>>)
      %dma_wait3A_315 = arith.constant 0 : i32
      %dma_wait3A_316 = arith.constant 0 : i32
      %dma_wait3A_317 = tpu.memref_slice %arg6[%dma_wait3A_315, %dma_wait3A_316] : memref<400x64xi32, #tpu.memory_space<vmem>> -> memref<1x64xi32, #tpu.memory_space<vmem>>
      %dma_wait3A_318 = tpu.memref_squeeze %dma_wait3A_317 : memref<1x64xi32, #tpu.memory_space<vmem>> -> memref<64xi32, #tpu.memory_space<vmem>>
      %dma_wait3A_319 = arith.constant 0 : i32
      %dma_wait3A_320 = arith.constant 0 : i32
      %dma_wait3A_321 = tpu.memref_slice %arg5[%dma_wait3A_319, %dma_wait3A_320] : memref<367x128xf32, #tpu.memory_space<vmem_shared>> -> memref<367x128xf32, #tpu.memory_space<vmem_shared>>
      tpu.wait_indirect_dma semaphore(%arg22 : memref<!tpu.dma_semaphore, #tpu.memory_space<semaphore_mem>>) src(%dma_wait3A_321 : memref<367x128xf32, #tpu.memory_space<vmem_shared>>) dst(%arg14 : memref<64x128xf32, #tpu.memory_space<vmem>>)
      %add3A_322 = arith.constant 7 : i32
      %add3A_323 = arith.addi %mul3A_202, %add3A_322 : i32
      %mul3A_324 = arith.constant 64 : i32
      %mul3A_325 = arith.muli %add3A_323, %mul3A_324 : i32
      %add3A_326 = arith.addi %mul3A_2, %mul3A_325 : i32
      %dma_start3A_327 = arith.constant 0 : i32
      %dma_start3A_328 = tpu.memref_slice %arg4[%add3A_326, %dma_start3A_327] : memref<819200x128xf32, #tpu.memory_space<hbm>> -> memref<64x128xf32, #tpu.memory_space<hbm>>
      %dma_start3A_329 = arith.constant 0 : i32
      %dma_start3A_330 = tpu.memref_slice %arg4[%add3A_326, %dma_start3A_329] : memref<819200x128xf32, #tpu.memory_space<hbm>> -> memref<64x128xf32, #tpu.memory_space<hbm>>
      tpu.enqueue_dma source(%arg14 : memref<64x128xf32, #tpu.memory_space<vmem>>) target(%dma_start3A_330 : memref<64x128xf32, #tpu.memory_space<hbm>>) target_semaphore(%arg30 : memref<!tpu.dma_semaphore, #tpu.memory_space<semaphore_mem>>)
      %dma_wait3A_331 = arith.constant 0 : i32
      %dma_wait3A_332 = tpu.memref_slice %arg4[%mul3A_2, %dma_wait3A_331] : memref<819200x128xf32, #tpu.memory_space<hbm>> -> memref<64x128xf32, #tpu.memory_space<hbm>>
      %dma_wait3A_333 = arith.constant 0 : i32
      %dma_wait3A_334 = tpu.memref_slice %arg4[%mul3A_2, %dma_wait3A_333] : memref<819200x128xf32, #tpu.memory_space<hbm>> -> memref<64x128xf32, #tpu.memory_space<hbm>>
      tpu.wait_dma2 semaphore(%arg23 : memref<!tpu.dma_semaphore, #tpu.memory_space<semaphore_mem>>) src(%arg7 : memref<64x128xf32, #tpu.memory_space<vmem>>) dst(%dma_wait3A_334 : memref<64x128xf32, #tpu.memory_space<hbm>>)
      %add3A_335 = arith.constant 8 : i32
      %add3A_336 = arith.addi %mul3A_202, %add3A_335 : i32
      %add3A_337 = arith.constant 0 : i32
      %add3A_338 = arith.addi %add3A_336, %add3A_337 : i32
      %dma_start3A_339 = arith.constant 0 : i32
      %dma_start3A_340 = tpu.memref_slice %arg6[%add3A_338, %dma_start3A_339] : memref<400x64xi32, #tpu.memory_space<vmem>> -> memref<1x64xi32, #tpu.memory_space<vmem>>
      %dma_start3A_341 = tpu.memref_squeeze %dma_start3A_340 : memref<1x64xi32, #tpu.memory_space<vmem>> -> memref<64xi32, #tpu.memory_space<vmem>>
      %dma_start3A_342 = arith.constant 0 : i32
      %dma_start3A_343 = arith.constant 0 : i32
      %dma_start3A_344 = tpu.memref_slice %arg5[%dma_start3A_342, %dma_start3A_343] : memref<367x128xf32, #tpu.memory_space<vmem_shared>> -> memref<367x128xf32, #tpu.memory_space<vmem_shared>>
      tpu.enqueue_indirect_dma source(%dma_start3A_344 : memref<367x128xf32, #tpu.memory_space<vmem_shared>>) target(%arg7 : memref<64x128xf32, #tpu.memory_space<vmem>>) offsets(%dma_start3A_341 : memref<64xi32, #tpu.memory_space<vmem>>) semaphore(%arg15 : memref<!tpu.dma_semaphore, #tpu.memory_space<semaphore_mem>>)
      %dma_wait3A_345 = arith.constant 0 : i32
      %dma_wait3A_346 = tpu.memref_slice %arg4[%mul3A_2, %dma_wait3A_345] : memref<819200x128xf32, #tpu.memory_space<hbm>> -> memref<64x128xf32, #tpu.memory_space<hbm>>
      %dma_wait3A_347 = arith.constant 0 : i32
      %dma_wait3A_348 = tpu.memref_slice %arg4[%mul3A_2, %dma_wait3A_347] : memref<819200x128xf32, #tpu.memory_space<hbm>> -> memref<64x128xf32, #tpu.memory_space<hbm>>
      tpu.wait_dma2 semaphore(%arg24 : memref<!tpu.dma_semaphore, #tpu.memory_space<semaphore_mem>>) src(%arg8 : memref<64x128xf32, #tpu.memory_space<vmem>>) dst(%dma_wait3A_348 : memref<64x128xf32, #tpu.memory_space<hbm>>)
      %add3A_349 = arith.constant 8 : i32
      %add3A_350 = arith.addi %mul3A_202, %add3A_349 : i32
      %add3A_351 = arith.constant 1 : i32
      %add3A_352 = arith.addi %add3A_350, %add3A_351 : i32
      %dma_start3A_353 = arith.constant 0 : i32
      %dma_start3A_354 = tpu.memref_slice %arg6[%add3A_352, %dma_start3A_353] : memref<400x64xi32, #tpu.memory_space<vmem>> -> memref<1x64xi32, #tpu.memory_space<vmem>>
      %dma_start3A_355 = tpu.memref_squeeze %dma_start3A_354 : memref<1x64xi32, #tpu.memory_space<vmem>> -> memref<64xi32, #tpu.memory_space<vmem>>
      %dma_start3A_356 = arith.constant 0 : i32
      %dma_start3A_357 = arith.constant 0 : i32
      %dma_start3A_358 = tpu.memref_slice %arg5[%dma_start3A_356, %dma_start3A_357] : memref<367x128xf32, #tpu.memory_space<vmem_shared>> -> memref<367x128xf32, #tpu.memory_space<vmem_shared>>
      tpu.enqueue_indirect_dma source(%dma_start3A_358 : memref<367x128xf32, #tpu.memory_space<vmem_shared>>) target(%arg8 : memref<64x128xf32, #tpu.memory_space<vmem>>) offsets(%dma_start3A_355 : memref<64xi32, #tpu.memory_space<vmem>>) semaphore(%arg16 : memref<!tpu.dma_semaphore, #tpu.memory_space<semaphore_mem>>)
      %dma_wait3A_359 = arith.constant 0 : i32
      %dma_wait3A_360 = tpu.memref_slice %arg4[%mul3A_2, %dma_wait3A_359] : memref<819200x128xf32, #tpu.memory_space<hbm>> -> memref<64x128xf32, #tpu.memory_space<hbm>>
      %dma_wait3A_361 = arith.constant 0 : i32
      %dma_wait3A_362 = tpu.memref_slice %arg4[%mul3A_2, %dma_wait3A_361] : memref<819200x128xf32, #tpu.memory_space<hbm>> -> memref<64x128xf32, #tpu.memory_space<hbm>>
      tpu.wait_dma2 semaphore(%arg25 : memref<!tpu.dma_semaphore, #tpu.memory_space<semaphore_mem>>) src(%arg9 : memref<64x128xf32, #tpu.memory_space<vmem>>) dst(%dma_wait3A_362 : memref<64x128xf32, #tpu.memory_space<hbm>>)
      %add3A_363 = arith.constant 8 : i32
      %add3A_364 = arith.addi %mul3A_202, %add3A_363 : i32
      %add3A_365 = arith.constant 2 : i32
      %add3A_366 = arith.addi %add3A_364, %add3A_365 : i32
      %dma_start3A_367 = arith.constant 0 : i32
      %dma_start3A_368 = tpu.memref_slice %arg6[%add3A_366, %dma_start3A_367] : memref<400x64xi32, #tpu.memory_space<vmem>> -> memref<1x64xi32, #tpu.memory_space<vmem>>
      %dma_start3A_369 = tpu.memref_squeeze %dma_start3A_368 : memref<1x64xi32, #tpu.memory_space<vmem>> -> memref<64xi32, #tpu.memory_space<vmem>>
      %dma_start3A_370 = arith.constant 0 : i32
      %dma_start3A_371 = arith.constant 0 : i32
      %dma_start3A_372 = tpu.memref_slice %arg5[%dma_start3A_370, %dma_start3A_371] : memref<367x128xf32, #tpu.memory_space<vmem_shared>> -> memref<367x128xf32, #tpu.memory_space<vmem_shared>>
      tpu.enqueue_indirect_dma source(%dma_start3A_372 : memref<367x128xf32, #tpu.memory_space<vmem_shared>>) target(%arg9 : memref<64x128xf32, #tpu.memory_space<vmem>>) offsets(%dma_start3A_369 : memref<64xi32, #tpu.memory_space<vmem>>) semaphore(%arg17 : memref<!tpu.dma_semaphore, #tpu.memory_space<semaphore_mem>>)
      %dma_wait3A_373 = arith.constant 0 : i32
      %dma_wait3A_374 = tpu.memref_slice %arg4[%mul3A_2, %dma_wait3A_373] : memref<819200x128xf32, #tpu.memory_space<hbm>> -> memref<64x128xf32, #tpu.memory_space<hbm>>
      %dma_wait3A_375 = arith.constant 0 : i32
      %dma_wait3A_376 = tpu.memref_slice %arg4[%mul3A_2, %dma_wait3A_375] : memref<819200x128xf32, #tpu.memory_space<hbm>> -> memref<64x128xf32, #tpu.memory_space<hbm>>
      tpu.wait_dma2 semaphore(%arg26 : memref<!tpu.dma_semaphore, #tpu.memory_space<semaphore_mem>>) src(%arg10 : memref<64x128xf32, #tpu.memory_space<vmem>>) dst(%dma_wait3A_376 : memref<64x128xf32, #tpu.memory_space<hbm>>)
      %add3A_377 = arith.constant 8 : i32
      %add3A_378 = arith.addi %mul3A_202, %add3A_377 : i32
      %add3A_379 = arith.constant 3 : i32
      %add3A_380 = arith.addi %add3A_378, %add3A_379 : i32
      %dma_start3A_381 = arith.constant 0 : i32
      %dma_start3A_382 = tpu.memref_slice %arg6[%add3A_380, %dma_start3A_381] : memref<400x64xi32, #tpu.memory_space<vmem>> -> memref<1x64xi32, #tpu.memory_space<vmem>>
      %dma_start3A_383 = tpu.memref_squeeze %dma_start3A_382 : memref<1x64xi32, #tpu.memory_space<vmem>> -> memref<64xi32, #tpu.memory_space<vmem>>
      %dma_start3A_384 = arith.constant 0 : i32
      %dma_start3A_385 = arith.constant 0 : i32
      %dma_start3A_386 = tpu.memref_slice %arg5[%dma_start3A_384, %dma_start3A_385] : memref<367x128xf32, #tpu.memory_space<vmem_shared>> -> memref<367x128xf32, #tpu.memory_space<vmem_shared>>
      tpu.enqueue_indirect_dma source(%dma_start3A_386 : memref<367x128xf32, #tpu.memory_space<vmem_shared>>) target(%arg10 : memref<64x128xf32, #tpu.memory_space<vmem>>) offsets(%dma_start3A_383 : memref<64xi32, #tpu.memory_space<vmem>>) semaphore(%arg18 : memref<!tpu.dma_semaphore, #tpu.memory_space<semaphore_mem>>)
      %dma_wait3A_387 = arith.constant 0 : i32
      %dma_wait3A_388 = tpu.memref_slice %arg4[%mul3A_2, %dma_wait3A_387] : memref<819200x128xf32, #tpu.memory_space<hbm>> -> memref<64x128xf32, #tpu.memory_space<hbm>>
      %dma_wait3A_389 = arith.constant 0 : i32
      %dma_wait3A_390 = tpu.memref_slice %arg4[%mul3A_2, %dma_wait3A_389] : memref<819200x128xf32, #tpu.memory_space<hbm>> -> memref<64x128xf32, #tpu.memory_space<hbm>>
      tpu.wait_dma2 semaphore(%arg27 : memref<!tpu.dma_semaphore, #tpu.memory_space<semaphore_mem>>) src(%arg11 : memref<64x128xf32, #tpu.memory_space<vmem>>) dst(%dma_wait3A_390 : memref<64x128xf32, #tpu.memory_space<hbm>>)
      %add3A_391 = arith.constant 8 : i32
      %add3A_392 = arith.addi %mul3A_202, %add3A_391 : i32
      %add3A_393 = arith.constant 4 : i32
      %add3A_394 = arith.addi %add3A_392, %add3A_393 : i32
      %dma_start3A_395 = arith.constant 0 : i32
      %dma_start3A_396 = tpu.memref_slice %arg6[%add3A_394, %dma_start3A_395] : memref<400x64xi32, #tpu.memory_space<vmem>> -> memref<1x64xi32, #tpu.memory_space<vmem>>
      %dma_start3A_397 = tpu.memref_squeeze %dma_start3A_396 : memref<1x64xi32, #tpu.memory_space<vmem>> -> memref<64xi32, #tpu.memory_space<vmem>>
      %dma_start3A_398 = arith.constant 0 : i32
      %dma_start3A_399 = arith.constant 0 : i32
      %dma_start3A_400 = tpu.memref_slice %arg5[%dma_start3A_398, %dma_start3A_399] : memref<367x128xf32, #tpu.memory_space<vmem_shared>> -> memref<367x128xf32, #tpu.memory_space<vmem_shared>>
      tpu.enqueue_indirect_dma source(%dma_start3A_400 : memref<367x128xf32, #tpu.memory_space<vmem_shared>>) target(%arg11 : memref<64x128xf32, #tpu.memory_space<vmem>>) offsets(%dma_start3A_397 : memref<64xi32, #tpu.memory_space<vmem>>) semaphore(%arg19 : memref<!tpu.dma_semaphore, #tpu.memory_space<semaphore_mem>>)
      %dma_wait3A_401 = arith.constant 0 : i32
      %dma_wait3A_402 = tpu.memref_slice %arg4[%mul3A_2, %dma_wait3A_401] : memref<819200x128xf32, #tpu.memory_space<hbm>> -> memref<64x128xf32, #tpu.memory_space<hbm>>
      %dma_wait3A_403 = arith.constant 0 : i32
      %dma_wait3A_404 = tpu.memref_slice %arg4[%mul3A_2, %dma_wait3A_403] : memref<819200x128xf32, #tpu.memory_space<hbm>> -> memref<64x128xf32, #tpu.memory_space<hbm>>
      tpu.wait_dma2 semaphore(%arg28 : memref<!tpu.dma_semaphore, #tpu.memory_space<semaphore_mem>>) src(%arg12 : memref<64x128xf32, #tpu.memory_space<vmem>>) dst(%dma_wait3A_404 : memref<64x128xf32, #tpu.memory_space<hbm>>)
      %add3A_405 = arith.constant 8 : i32
      %add3A_406 = arith.addi %mul3A_202, %add3A_405 : i32
      %add3A_407 = arith.constant 5 : i32
      %add3A_408 = arith.addi %add3A_406, %add3A_407 : i32
      %dma_start3A_409 = arith.constant 0 : i32
      %dma_start3A_410 = tpu.memref_slice %arg6[%add3A_408, %dma_start3A_409] : memref<400x64xi32, #tpu.memory_space<vmem>> -> memref<1x64xi32, #tpu.memory_space<vmem>>
      %dma_start3A_411 = tpu.memref_squeeze %dma_start3A_410 : memref<1x64xi32, #tpu.memory_space<vmem>> -> memref<64xi32, #tpu.memory_space<vmem>>
      %dma_start3A_412 = arith.constant 0 : i32
      %dma_start3A_413 = arith.constant 0 : i32
      %dma_start3A_414 = tpu.memref_slice %arg5[%dma_start3A_412, %dma_start3A_413] : memref<367x128xf32, #tpu.memory_space<vmem_shared>> -> memref<367x128xf32, #tpu.memory_space<vmem_shared>>
      tpu.enqueue_indirect_dma source(%dma_start3A_414 : memref<367x128xf32, #tpu.memory_space<vmem_shared>>) target(%arg12 : memref<64x128xf32, #tpu.memory_space<vmem>>) offsets(%dma_start3A_411 : memref<64xi32, #tpu.memory_space<vmem>>) semaphore(%arg20 : memref<!tpu.dma_semaphore, #tpu.memory_space<semaphore_mem>>)
      %dma_wait3A_415 = arith.constant 0 : i32
      %dma_wait3A_416 = tpu.memref_slice %arg4[%mul3A_2, %dma_wait3A_415] : memref<819200x128xf32, #tpu.memory_space<hbm>> -> memref<64x128xf32, #tpu.memory_space<hbm>>
      %dma_wait3A_417 = arith.constant 0 : i32
      %dma_wait3A_418 = tpu.memref_slice %arg4[%mul3A_2, %dma_wait3A_417] : memref<819200x128xf32, #tpu.memory_space<hbm>> -> memref<64x128xf32, #tpu.memory_space<hbm>>
      tpu.wait_dma2 semaphore(%arg29 : memref<!tpu.dma_semaphore, #tpu.memory_space<semaphore_mem>>) src(%arg13 : memref<64x128xf32, #tpu.memory_space<vmem>>) dst(%dma_wait3A_418 : memref<64x128xf32, #tpu.memory_space<hbm>>)
      %add3A_419 = arith.constant 8 : i32
      %add3A_420 = arith.addi %mul3A_202, %add3A_419 : i32
      %add3A_421 = arith.constant 6 : i32
      %add3A_422 = arith.addi %add3A_420, %add3A_421 : i32
      %dma_start3A_423 = arith.constant 0 : i32
      %dma_start3A_424 = tpu.memref_slice %arg6[%add3A_422, %dma_start3A_423] : memref<400x64xi32, #tpu.memory_space<vmem>> -> memref<1x64xi32, #tpu.memory_space<vmem>>
      %dma_start3A_425 = tpu.memref_squeeze %dma_start3A_424 : memref<1x64xi32, #tpu.memory_space<vmem>> -> memref<64xi32, #tpu.memory_space<vmem>>
      %dma_start3A_426 = arith.constant 0 : i32
      %dma_start3A_427 = arith.constant 0 : i32
      %dma_start3A_428 = tpu.memref_slice %arg5[%dma_start3A_426, %dma_start3A_427] : memref<367x128xf32, #tpu.memory_space<vmem_shared>> -> memref<367x128xf32, #tpu.memory_space<vmem_shared>>
      tpu.enqueue_indirect_dma source(%dma_start3A_428 : memref<367x128xf32, #tpu.memory_space<vmem_shared>>) target(%arg13 : memref<64x128xf32, #tpu.memory_space<vmem>>) offsets(%dma_start3A_425 : memref<64xi32, #tpu.memory_space<vmem>>) semaphore(%arg21 : memref<!tpu.dma_semaphore, #tpu.memory_space<semaphore_mem>>)
      %dma_wait3A_429 = arith.constant 0 : i32
      %dma_wait3A_430 = tpu.memref_slice %arg4[%mul3A_2, %dma_wait3A_429] : memref<819200x128xf32, #tpu.memory_space<hbm>> -> memref<64x128xf32, #tpu.memory_space<hbm>>
      %dma_wait3A_431 = arith.constant 0 : i32
      %dma_wait3A_432 = tpu.memref_slice %arg4[%mul3A_2, %dma_wait3A_431] : memref<819200x128xf32, #tpu.memory_space<hbm>> -> memref<64x128xf32, #tpu.memory_space<hbm>>
      tpu.wait_dma2 semaphore(%arg30 : memref<!tpu.dma_semaphore, #tpu.memory_space<semaphore_mem>>) src(%arg14 : memref<64x128xf32, #tpu.memory_space<vmem>>) dst(%dma_wait3A_432 : memref<64x128xf32, #tpu.memory_space<hbm>>)
      %add3A_433 = arith.constant 8 : i32
      %add3A_434 = arith.addi %mul3A_202, %add3A_433 : i32
      %add3A_435 = arith.constant 7 : i32
      %add3A_436 = arith.addi %add3A_434, %add3A_435 : i32
      %dma_start3A_437 = arith.constant 0 : i32
      %dma_start3A_438 = tpu.memref_slice %arg6[%add3A_436, %dma_start3A_437] : memref<400x64xi32, #tpu.memory_space<vmem>> -> memref<1x64xi32, #tpu.memory_space<vmem>>
      %dma_start3A_439 = tpu.memref_squeeze %dma_start3A_438 : memref<1x64xi32, #tpu.memory_space<vmem>> -> memref<64xi32, #tpu.memory_space<vmem>>
      %dma_start3A_440 = arith.constant 0 : i32
      %dma_start3A_441 = arith.constant 0 : i32
      %dma_start3A_442 = tpu.memref_slice %arg5[%dma_start3A_440, %dma_start3A_441] : memref<367x128xf32, #tpu.memory_space<vmem_shared>> -> memref<367x128xf32, #tpu.memory_space<vmem_shared>>
      tpu.enqueue_indirect_dma source(%dma_start3A_442 : memref<367x128xf32, #tpu.memory_space<vmem_shared>>) target(%arg14 : memref<64x128xf32, #tpu.memory_space<vmem>>) offsets(%dma_start3A_439 : memref<64xi32, #tpu.memory_space<vmem>>) semaphore(%arg22 : memref<!tpu.dma_semaphore, #tpu.memory_space<semaphore_mem>>)
    }
    %scan3A_64 = arith.constant 49 : i32
    %dma_wait3A = arith.constant 0 : i32
    %dma_wait3A_65 = arith.constant 0 : i32
    %dma_wait3A_66 = tpu.memref_slice %arg6[%dma_wait3A, %dma_wait3A_65] : memref<400x64xi32, #tpu.memory_space<vmem>> -> memref<1x64xi32, #tpu.memory_space<vmem>>
    %dma_wait3A_67 = tpu.memref_squeeze %dma_wait3A_66 : memref<1x64xi32, #tpu.memory_space<vmem>> -> memref<64xi32, #tpu.memory_space<vmem>>
    %dma_wait3A_68 = arith.constant 0 : i32
    %dma_wait3A_69 = arith.constant 0 : i32
    %dma_wait3A_70 = tpu.memref_slice %arg5[%dma_wait3A_68, %dma_wait3A_69] : memref<367x128xf32, #tpu.memory_space<vmem_shared>> -> memref<367x128xf32, #tpu.memory_space<vmem_shared>>
    tpu.wait_indirect_dma semaphore(%arg15 : memref<!tpu.dma_semaphore, #tpu.memory_space<semaphore_mem>>) src(%dma_wait3A_70 : memref<367x128xf32, #tpu.memory_space<vmem_shared>>) dst(%arg7 : memref<64x128xf32, #tpu.memory_space<vmem>>)
    %add3A_71 = arith.constant 25088 : i32
    %add3A_72 = arith.addi %mul3A_2, %add3A_71 : i32
    %dma_start3A_73 = arith.constant 0 : i32
    %dma_start3A_74 = tpu.memref_slice %arg4[%add3A_72, %dma_start3A_73] : memref<819200x128xf32, #tpu.memory_space<hbm>> -> memref<64x128xf32, #tpu.memory_space<hbm>>
    %dma_start3A_75 = arith.constant 0 : i32
    %dma_start3A_76 = tpu.memref_slice %arg4[%add3A_72, %dma_start3A_75] : memref<819200x128xf32, #tpu.memory_space<hbm>> -> memref<64x128xf32, #tpu.memory_space<hbm>>
    tpu.enqueue_dma source(%arg7 : memref<64x128xf32, #tpu.memory_space<vmem>>) target(%dma_start3A_76 : memref<64x128xf32, #tpu.memory_space<hbm>>) target_semaphore(%arg23 : memref<!tpu.dma_semaphore, #tpu.memory_space<semaphore_mem>>)
    %dma_wait3A_77 = arith.constant 0 : i32
    %dma_wait3A_78 = arith.constant 0 : i32
    %dma_wait3A_79 = tpu.memref_slice %arg6[%dma_wait3A_77, %dma_wait3A_78] : memref<400x64xi32, #tpu.memory_space<vmem>> -> memref<1x64xi32, #tpu.memory_space<vmem>>
    %dma_wait3A_80 = tpu.memref_squeeze %dma_wait3A_79 : memref<1x64xi32, #tpu.memory_space<vmem>> -> memref<64xi32, #tpu.memory_space<vmem>>
    %dma_wait3A_81 = arith.constant 0 : i32
    %dma_wait3A_82 = arith.constant 0 : i32
    %dma_wait3A_83 = tpu.memref_slice %arg5[%dma_wait3A_81, %dma_wait3A_82] : memref<367x128xf32, #tpu.memory_space<vmem_shared>> -> memref<367x128xf32, #tpu.memory_space<vmem_shared>>
    tpu.wait_indirect_dma semaphore(%arg16 : memref<!tpu.dma_semaphore, #tpu.memory_space<semaphore_mem>>) src(%dma_wait3A_83 : memref<367x128xf32, #tpu.memory_space<vmem_shared>>) dst(%arg8 : memref<64x128xf32, #tpu.memory_space<vmem>>)
    %add3A_84 = arith.constant 25152 : i32
    %add3A_85 = arith.addi %mul3A_2, %add3A_84 : i32
    %dma_start3A_86 = arith.constant 0 : i32
    %dma_start3A_87 = tpu.memref_slice %arg4[%add3A_85, %dma_start3A_86] : memref<819200x128xf32, #tpu.memory_space<hbm>> -> memref<64x128xf32, #tpu.memory_space<hbm>>
    %dma_start3A_88 = arith.constant 0 : i32
    %dma_start3A_89 = tpu.memref_slice %arg4[%add3A_85, %dma_start3A_88] : memref<819200x128xf32, #tpu.memory_space<hbm>> -> memref<64x128xf32, #tpu.memory_space<hbm>>
    tpu.enqueue_dma source(%arg8 : memref<64x128xf32, #tpu.memory_space<vmem>>) target(%dma_start3A_89 : memref<64x128xf32, #tpu.memory_space<hbm>>) target_semaphore(%arg24 : memref<!tpu.dma_semaphore, #tpu.memory_space<semaphore_mem>>)
    %dma_wait3A_90 = arith.constant 0 : i32
    %dma_wait3A_91 = arith.constant 0 : i32
    %dma_wait3A_92 = tpu.memref_slice %arg6[%dma_wait3A_90, %dma_wait3A_91] : memref<400x64xi32, #tpu.memory_space<vmem>> -> memref<1x64xi32, #tpu.memory_space<vmem>>
    %dma_wait3A_93 = tpu.memref_squeeze %dma_wait3A_92 : memref<1x64xi32, #tpu.memory_space<vmem>> -> memref<64xi32, #tpu.memory_space<vmem>>
    %dma_wait3A_94 = arith.constant 0 : i32
    %dma_wait3A_95 = arith.constant 0 : i32
    %dma_wait3A_96 = tpu.memref_slice %arg5[%dma_wait3A_94, %dma_wait3A_95] : memref<367x128xf32, #tpu.memory_space<vmem_shared>> -> memref<367x128xf32, #tpu.memory_space<vmem_shared>>
    tpu.wait_indirect_dma semaphore(%arg17 : memref<!tpu.dma_semaphore, #tpu.memory_space<semaphore_mem>>) src(%dma_wait3A_96 : memref<367x128xf32, #tpu.memory_space<vmem_shared>>) dst(%arg9 : memref<64x128xf32, #tpu.memory_space<vmem>>)
    %add3A_97 = arith.constant 25216 : i32
    %add3A_98 = arith.addi %mul3A_2, %add3A_97 : i32
    %dma_start3A_99 = arith.constant 0 : i32
    %dma_start3A_100 = tpu.memref_slice %arg4[%add3A_98, %dma_start3A_99] : memref<819200x128xf32, #tpu.memory_space<hbm>> -> memref<64x128xf32, #tpu.memory_space<hbm>>
    %dma_start3A_101 = arith.constant 0 : i32
    %dma_start3A_102 = tpu.memref_slice %arg4[%add3A_98, %dma_start3A_101] : memref<819200x128xf32, #tpu.memory_space<hbm>> -> memref<64x128xf32, #tpu.memory_space<hbm>>
    tpu.enqueue_dma source(%arg9 : memref<64x128xf32, #tpu.memory_space<vmem>>) target(%dma_start3A_102 : memref<64x128xf32, #tpu.memory_space<hbm>>) target_semaphore(%arg25 : memref<!tpu.dma_semaphore, #tpu.memory_space<semaphore_mem>>)
    %dma_wait3A_103 = arith.constant 0 : i32
    %dma_wait3A_104 = arith.constant 0 : i32
    %dma_wait3A_105 = tpu.memref_slice %arg6[%dma_wait3A_103, %dma_wait3A_104] : memref<400x64xi32, #tpu.memory_space<vmem>> -> memref<1x64xi32, #tpu.memory_space<vmem>>
    %dma_wait3A_106 = tpu.memref_squeeze %dma_wait3A_105 : memref<1x64xi32, #tpu.memory_space<vmem>> -> memref<64xi32, #tpu.memory_space<vmem>>
    %dma_wait3A_107 = arith.constant 0 : i32
    %dma_wait3A_108 = arith.constant 0 : i32
    %dma_wait3A_109 = tpu.memref_slice %arg5[%dma_wait3A_107, %dma_wait3A_108] : memref<367x128xf32, #tpu.memory_space<vmem_shared>> -> memref<367x128xf32, #tpu.memory_space<vmem_shared>>
    tpu.wait_indirect_dma semaphore(%arg18 : memref<!tpu.dma_semaphore, #tpu.memory_space<semaphore_mem>>) src(%dma_wait3A_109 : memref<367x128xf32, #tpu.memory_space<vmem_shared>>) dst(%arg10 : memref<64x128xf32, #tpu.memory_space<vmem>>)
    %add3A_110 = arith.constant 25280 : i32
    %add3A_111 = arith.addi %mul3A_2, %add3A_110 : i32
    %dma_start3A_112 = arith.constant 0 : i32
    %dma_start3A_113 = tpu.memref_slice %arg4[%add3A_111, %dma_start3A_112] : memref<819200x128xf32, #tpu.memory_space<hbm>> -> memref<64x128xf32, #tpu.memory_space<hbm>>
    %dma_start3A_114 = arith.constant 0 : i32
    %dma_start3A_115 = tpu.memref_slice %arg4[%add3A_111, %dma_start3A_114] : memref<819200x128xf32, #tpu.memory_space<hbm>> -> memref<64x128xf32, #tpu.memory_space<hbm>>
    tpu.enqueue_dma source(%arg10 : memref<64x128xf32, #tpu.memory_space<vmem>>) target(%dma_start3A_115 : memref<64x128xf32, #tpu.memory_space<hbm>>) target_semaphore(%arg26 : memref<!tpu.dma_semaphore, #tpu.memory_space<semaphore_mem>>)
    %dma_wait3A_116 = arith.constant 0 : i32
    %dma_wait3A_117 = arith.constant 0 : i32
    %dma_wait3A_118 = tpu.memref_slice %arg6[%dma_wait3A_116, %dma_wait3A_117] : memref<400x64xi32, #tpu.memory_space<vmem>> -> memref<1x64xi32, #tpu.memory_space<vmem>>
    %dma_wait3A_119 = tpu.memref_squeeze %dma_wait3A_118 : memref<1x64xi32, #tpu.memory_space<vmem>> -> memref<64xi32, #tpu.memory_space<vmem>>
    %dma_wait3A_120 = arith.constant 0 : i32
    %dma_wait3A_121 = arith.constant 0 : i32
    %dma_wait3A_122 = tpu.memref_slice %arg5[%dma_wait3A_120, %dma_wait3A_121] : memref<367x128xf32, #tpu.memory_space<vmem_shared>> -> memref<367x128xf32, #tpu.memory_space<vmem_shared>>
    tpu.wait_indirect_dma semaphore(%arg19 : memref<!tpu.dma_semaphore, #tpu.memory_space<semaphore_mem>>) src(%dma_wait3A_122 : memref<367x128xf32, #tpu.memory_space<vmem_shared>>) dst(%arg11 : memref<64x128xf32, #tpu.memory_space<vmem>>)
    %add3A_123 = arith.constant 25344 : i32
    %add3A_124 = arith.addi %mul3A_2, %add3A_123 : i32
    %dma_start3A_125 = arith.constant 0 : i32
    %dma_start3A_126 = tpu.memref_slice %arg4[%add3A_124, %dma_start3A_125] : memref<819200x128xf32, #tpu.memory_space<hbm>> -> memref<64x128xf32, #tpu.memory_space<hbm>>
    %dma_start3A_127 = arith.constant 0 : i32
    %dma_start3A_128 = tpu.memref_slice %arg4[%add3A_124, %dma_start3A_127] : memref<819200x128xf32, #tpu.memory_space<hbm>> -> memref<64x128xf32, #tpu.memory_space<hbm>>
    tpu.enqueue_dma source(%arg11 : memref<64x128xf32, #tpu.memory_space<vmem>>) target(%dma_start3A_128 : memref<64x128xf32, #tpu.memory_space<hbm>>) target_semaphore(%arg27 : memref<!tpu.dma_semaphore, #tpu.memory_space<semaphore_mem>>)
    %dma_wait3A_129 = arith.constant 0 : i32
    %dma_wait3A_130 = arith.constant 0 : i32
    %dma_wait3A_131 = tpu.memref_slice %arg6[%dma_wait3A_129, %dma_wait3A_130] : memref<400x64xi32, #tpu.memory_space<vmem>> -> memref<1x64xi32, #tpu.memory_space<vmem>>
    %dma_wait3A_132 = tpu.memref_squeeze %dma_wait3A_131 : memref<1x64xi32, #tpu.memory_space<vmem>> -> memref<64xi32, #tpu.memory_space<vmem>>
    %dma_wait3A_133 = arith.constant 0 : i32
    %dma_wait3A_134 = arith.constant 0 : i32
    %dma_wait3A_135 = tpu.memref_slice %arg5[%dma_wait3A_133, %dma_wait3A_134] : memref<367x128xf32, #tpu.memory_space<vmem_shared>> -> memref<367x128xf32, #tpu.memory_space<vmem_shared>>
    tpu.wait_indirect_dma semaphore(%arg20 : memref<!tpu.dma_semaphore, #tpu.memory_space<semaphore_mem>>) src(%dma_wait3A_135 : memref<367x128xf32, #tpu.memory_space<vmem_shared>>) dst(%arg12 : memref<64x128xf32, #tpu.memory_space<vmem>>)
    %add3A_136 = arith.constant 25408 : i32
    %add3A_137 = arith.addi %mul3A_2, %add3A_136 : i32
    %dma_start3A_138 = arith.constant 0 : i32
    %dma_start3A_139 = tpu.memref_slice %arg4[%add3A_137, %dma_start3A_138] : memref<819200x128xf32, #tpu.memory_space<hbm>> -> memref<64x128xf32, #tpu.memory_space<hbm>>
    %dma_start3A_140 = arith.constant 0 : i32
    %dma_start3A_141 = tpu.memref_slice %arg4[%add3A_137, %dma_start3A_140] : memref<819200x128xf32, #tpu.memory_space<hbm>> -> memref<64x128xf32, #tpu.memory_space<hbm>>
    tpu.enqueue_dma source(%arg12 : memref<64x128xf32, #tpu.memory_space<vmem>>) target(%dma_start3A_141 : memref<64x128xf32, #tpu.memory_space<hbm>>) target_semaphore(%arg28 : memref<!tpu.dma_semaphore, #tpu.memory_space<semaphore_mem>>)
    %dma_wait3A_142 = arith.constant 0 : i32
    %dma_wait3A_143 = arith.constant 0 : i32
    %dma_wait3A_144 = tpu.memref_slice %arg6[%dma_wait3A_142, %dma_wait3A_143] : memref<400x64xi32, #tpu.memory_space<vmem>> -> memref<1x64xi32, #tpu.memory_space<vmem>>
    %dma_wait3A_145 = tpu.memref_squeeze %dma_wait3A_144 : memref<1x64xi32, #tpu.memory_space<vmem>> -> memref<64xi32, #tpu.memory_space<vmem>>
    %dma_wait3A_146 = arith.constant 0 : i32
    %dma_wait3A_147 = arith.constant 0 : i32
    %dma_wait3A_148 = tpu.memref_slice %arg5[%dma_wait3A_146, %dma_wait3A_147] : memref<367x128xf32, #tpu.memory_space<vmem_shared>> -> memref<367x128xf32, #tpu.memory_space<vmem_shared>>
    tpu.wait_indirect_dma semaphore(%arg21 : memref<!tpu.dma_semaphore, #tpu.memory_space<semaphore_mem>>) src(%dma_wait3A_148 : memref<367x128xf32, #tpu.memory_space<vmem_shared>>) dst(%arg13 : memref<64x128xf32, #tpu.memory_space<vmem>>)
    %add3A_149 = arith.constant 25472 : i32
    %add3A_150 = arith.addi %mul3A_2, %add3A_149 : i32
    %dma_start3A_151 = arith.constant 0 : i32
    %dma_start3A_152 = tpu.memref_slice %arg4[%add3A_150, %dma_start3A_151] : memref<819200x128xf32, #tpu.memory_space<hbm>> -> memref<64x128xf32, #tpu.memory_space<hbm>>
    %dma_start3A_153 = arith.constant 0 : i32
    %dma_start3A_154 = tpu.memref_slice %arg4[%add3A_150, %dma_start3A_153] : memref<819200x128xf32, #tpu.memory_space<hbm>> -> memref<64x128xf32, #tpu.memory_space<hbm>>
    tpu.enqueue_dma source(%arg13 : memref<64x128xf32, #tpu.memory_space<vmem>>) target(%dma_start3A_154 : memref<64x128xf32, #tpu.memory_space<hbm>>) target_semaphore(%arg29 : memref<!tpu.dma_semaphore, #tpu.memory_space<semaphore_mem>>)
    %dma_wait3A_155 = arith.constant 0 : i32
    %dma_wait3A_156 = arith.constant 0 : i32
    %dma_wait3A_157 = tpu.memref_slice %arg6[%dma_wait3A_155, %dma_wait3A_156] : memref<400x64xi32, #tpu.memory_space<vmem>> -> memref<1x64xi32, #tpu.memory_space<vmem>>
    %dma_wait3A_158 = tpu.memref_squeeze %dma_wait3A_157 : memref<1x64xi32, #tpu.memory_space<vmem>> -> memref<64xi32, #tpu.memory_space<vmem>>
    %dma_wait3A_159 = arith.constant 0 : i32
    %dma_wait3A_160 = arith.constant 0 : i32
    %dma_wait3A_161 = tpu.memref_slice %arg5[%dma_wait3A_159, %dma_wait3A_160] : memref<367x128xf32, #tpu.memory_space<vmem_shared>> -> memref<367x128xf32, #tpu.memory_space<vmem_shared>>
    tpu.wait_indirect_dma semaphore(%arg22 : memref<!tpu.dma_semaphore, #tpu.memory_space<semaphore_mem>>) src(%dma_wait3A_161 : memref<367x128xf32, #tpu.memory_space<vmem_shared>>) dst(%arg14 : memref<64x128xf32, #tpu.memory_space<vmem>>)
    %add3A_162 = arith.constant 25536 : i32
    %add3A_163 = arith.addi %mul3A_2, %add3A_162 : i32
    %dma_start3A_164 = arith.constant 0 : i32
    %dma_start3A_165 = tpu.memref_slice %arg4[%add3A_163, %dma_start3A_164] : memref<819200x128xf32, #tpu.memory_space<hbm>> -> memref<64x128xf32, #tpu.memory_space<hbm>>
    %dma_start3A_166 = arith.constant 0 : i32
    %dma_start3A_167 = tpu.memref_slice %arg4[%add3A_163, %dma_start3A_166] : memref<819200x128xf32, #tpu.memory_space<hbm>> -> memref<64x128xf32, #tpu.memory_space<hbm>>
    tpu.enqueue_dma source(%arg14 : memref<64x128xf32, #tpu.memory_space<vmem>>) target(%dma_start3A_167 : memref<64x128xf32, #tpu.memory_space<hbm>>) target_semaphore(%arg30 : memref<!tpu.dma_semaphore, #tpu.memory_space<semaphore_mem>>)
    %dma_wait3A_168 = arith.constant 0 : i32
    %dma_wait3A_169 = tpu.memref_slice %arg4[%mul3A_2, %dma_wait3A_168] : memref<819200x128xf32, #tpu.memory_space<hbm>> -> memref<64x128xf32, #tpu.memory_space<hbm>>
    %dma_wait3A_170 = arith.constant 0 : i32
    %dma_wait3A_171 = tpu.memref_slice %arg4[%mul3A_2, %dma_wait3A_170] : memref<819200x128xf32, #tpu.memory_space<hbm>> -> memref<64x128xf32, #tpu.memory_space<hbm>>
    tpu.wait_dma2 semaphore(%arg23 : memref<!tpu.dma_semaphore, #tpu.memory_space<semaphore_mem>>) src(%arg7 : memref<64x128xf32, #tpu.memory_space<vmem>>) dst(%dma_wait3A_171 : memref<64x128xf32, #tpu.memory_space<hbm>>)
    %dma_wait3A_172 = arith.constant 0 : i32
    %dma_wait3A_173 = tpu.memref_slice %arg4[%mul3A_2, %dma_wait3A_172] : memref<819200x128xf32, #tpu.memory_space<hbm>> -> memref<64x128xf32, #tpu.memory_space<hbm>>
    %dma_wait3A_174 = arith.constant 0 : i32
    %dma_wait3A_175 = tpu.memref_slice %arg4[%mul3A_2, %dma_wait3A_174] : memref<819200x128xf32, #tpu.memory_space<hbm>> -> memref<64x128xf32, #tpu.memory_space<hbm>>
    tpu.wait_dma2 semaphore(%arg24 : memref<!tpu.dma_semaphore, #tpu.memory_space<semaphore_mem>>) src(%arg8 : memref<64x128xf32, #tpu.memory_space<vmem>>) dst(%dma_wait3A_175 : memref<64x128xf32, #tpu.memory_space<hbm>>)
    %dma_wait3A_176 = arith.constant 0 : i32
    %dma_wait3A_177 = tpu.memref_slice %arg4[%mul3A_2, %dma_wait3A_176] : memref<819200x128xf32, #tpu.memory_space<hbm>> -> memref<64x128xf32, #tpu.memory_space<hbm>>
    %dma_wait3A_178 = arith.constant 0 : i32
    %dma_wait3A_179 = tpu.memref_slice %arg4[%mul3A_2, %dma_wait3A_178] : memref<819200x128xf32, #tpu.memory_space<hbm>> -> memref<64x128xf32, #tpu.memory_space<hbm>>
    tpu.wait_dma2 semaphore(%arg25 : memref<!tpu.dma_semaphore, #tpu.memory_space<semaphore_mem>>) src(%arg9 : memref<64x128xf32, #tpu.memory_space<vmem>>) dst(%dma_wait3A_179 : memref<64x128xf32, #tpu.memory_space<hbm>>)
    %dma_wait3A_180 = arith.constant 0 : i32
    %dma_wait3A_181 = tpu.memref_slice %arg4[%mul3A_2, %dma_wait3A_180] : memref<819200x128xf32, #tpu.memory_space<hbm>> -> memref<64x128xf32, #tpu.memory_space<hbm>>
    %dma_wait3A_182 = arith.constant 0 : i32
    %dma_wait3A_183 = tpu.memref_slice %arg4[%mul3A_2, %dma_wait3A_182] : memref<819200x128xf32, #tpu.memory_space<hbm>> -> memref<64x128xf32, #tpu.memory_space<hbm>>
    tpu.wait_dma2 semaphore(%arg26 : memref<!tpu.dma_semaphore, #tpu.memory_space<semaphore_mem>>) src(%arg10 : memref<64x128xf32, #tpu.memory_space<vmem>>) dst(%dma_wait3A_183 : memref<64x128xf32, #tpu.memory_space<hbm>>)
    %dma_wait3A_184 = arith.constant 0 : i32
    %dma_wait3A_185 = tpu.memref_slice %arg4[%mul3A_2, %dma_wait3A_184] : memref<819200x128xf32, #tpu.memory_space<hbm>> -> memref<64x128xf32, #tpu.memory_space<hbm>>
    %dma_wait3A_186 = arith.constant 0 : i32
    %dma_wait3A_187 = tpu.memref_slice %arg4[%mul3A_2, %dma_wait3A_186] : memref<819200x128xf32, #tpu.memory_space<hbm>> -> memref<64x128xf32, #tpu.memory_space<hbm>>
    tpu.wait_dma2 semaphore(%arg27 : memref<!tpu.dma_semaphore, #tpu.memory_space<semaphore_mem>>) src(%arg11 : memref<64x128xf32, #tpu.memory_space<vmem>>) dst(%dma_wait3A_187 : memref<64x128xf32, #tpu.memory_space<hbm>>)
    %dma_wait3A_188 = arith.constant 0 : i32
    %dma_wait3A_189 = tpu.memref_slice %arg4[%mul3A_2, %dma_wait3A_188] : memref<819200x128xf32, #tpu.memory_space<hbm>> -> memref<64x128xf32, #tpu.memory_space<hbm>>
    %dma_wait3A_190 = arith.constant 0 : i32
    %dma_wait3A_191 = tpu.memref_slice %arg4[%mul3A_2, %dma_wait3A_190] : memref<819200x128xf32, #tpu.memory_space<hbm>> -> memref<64x128xf32, #tpu.memory_space<hbm>>
    tpu.wait_dma2 semaphore(%arg28 : memref<!tpu.dma_semaphore, #tpu.memory_space<semaphore_mem>>) src(%arg12 : memref<64x128xf32, #tpu.memory_space<vmem>>) dst(%dma_wait3A_191 : memref<64x128xf32, #tpu.memory_space<hbm>>)
    %dma_wait3A_192 = arith.constant 0 : i32
    %dma_wait3A_193 = tpu.memref_slice %arg4[%mul3A_2, %dma_wait3A_192] : memref<819200x128xf32, #tpu.memory_space<hbm>> -> memref<64x128xf32, #tpu.memory_space<hbm>>
    %dma_wait3A_194 = arith.constant 0 : i32
    %dma_wait3A_195 = tpu.memref_slice %arg4[%mul3A_2, %dma_wait3A_194] : memref<819200x128xf32, #tpu.memory_space<hbm>> -> memref<64x128xf32, #tpu.memory_space<hbm>>
    tpu.wait_dma2 semaphore(%arg29 : memref<!tpu.dma_semaphore, #tpu.memory_space<semaphore_mem>>) src(%arg13 : memref<64x128xf32, #tpu.memory_space<vmem>>) dst(%dma_wait3A_195 : memref<64x128xf32, #tpu.memory_space<hbm>>)
    %dma_wait3A_196 = arith.constant 0 : i32
    %dma_wait3A_197 = tpu.memref_slice %arg4[%mul3A_2, %dma_wait3A_196] : memref<819200x128xf32, #tpu.memory_space<hbm>> -> memref<64x128xf32, #tpu.memory_space<hbm>>
    %dma_wait3A_198 = arith.constant 0 : i32
    %dma_wait3A_199 = tpu.memref_slice %arg4[%mul3A_2, %dma_wait3A_198] : memref<819200x128xf32, #tpu.memory_space<hbm>> -> memref<64x128xf32, #tpu.memory_space<hbm>>
    tpu.wait_dma2 semaphore(%arg30 : memref<!tpu.dma_semaphore, #tpu.memory_space<semaphore_mem>>) src(%arg14 : memref<64x128xf32, #tpu.memory_space<vmem>>) dst(%dma_wait3A_199 : memref<64x128xf32, #tpu.memory_space<hbm>>)
    return
  }
}

</mosaic_0001>

<sc_bundles>
// kernel: kernel.3.cloned.1.call-start
scs
__scs_entry_jumppad:
0x0: {  	(pc) =	sbr.rel $0x88, $3  }
0x1: {  	(tag) =	ssettag $0x0;
	lr =	simm.s32 $0x1  }
0x2: {  	[smem:$0x3F9F] =	sst lr;
	_ =	strace $0xD0000000  }
0x3: {  	_ = 	snop  }
0x4: {  	_ = 	snop  }
0x5: {  	_ = 	snop  }
0x6: {  	_ = 	snop  }
0x7: {  	_ = 	snop  }
__scs_overlays_trampoline_lowered:
0x8: {  	[smem:$0x3FAE] =	sst s0  }
0x9: {  	[smem:$0x3FAF] =	sst s1  }
0xa: {  	[smem:$0x3FB0] =	sst s2  }
0xb: {  	[smem:$0x3FB1] =	sst s3  }
0xc: {  	[smem:$0x3FB2] =	sst s4  }
0xd: {  	[smem:$0x3FB3] =	sst s5  }
0xe: {  	[smem:$0x3FB4] =	sst s6  }
0xf: {  	[smem:$0x3FB5] =	sst s7  }
0x10: {  	[smem:$0x3FB6] =	sst s8  }
0x11: {  	[smem:$0x3FB7] =	sst s9;
	s0 =	simm.s32 @!p0 $0x0  }
0x12: {  	s1 =	sld [smem:$0x3F9D];
	s0 =	simm.s32 @p0 $0x1  }
0x13: {  	[smem:$0x3FB8] =	sst s0;
	s0 =	simm.s32 @!p1 $0x0  }
0x14: {  	s2 =	sld [smem:$0x3F9C];
	s0 =	simm.s32 @p1 $0x1  }
0x15: {  	[smem:$0x3FB9] =	sst s0;
	s0 =	simm.s32 @!p2 $0x0  }
0x16: {  	s3 =	sld [smem:$0x3FDB];
	s0 =	simm.s32 @p2 $0x1  }
0x17: {  	s4 =	simm.s32 $0x1BF5;
	[smem:$0x3FBB] =	sst s0  }
0x18: {  	s0 =	sld [smem:$0x3F9E];
	_ =	swait.ge [sflag:s4], $0x0  }
0x19: {  	s7 =	sld [smem:$0x3F9F]  }
0x1a: {  	s8 =	sadd.s32 $0xFFFFE003, lr  }
0x1b: {  	s9 =	sadd.s32 $0xFFFFFEF7, lr;
	s5 =	simm.s32 $0xFFFFFFFF;
	p2 =	slt.u32 s8, $0xFFFFF086  }
0x1c: {  	p1 =	slt.u32 s9, $0xF7A;
	s5 =	simm.s32 @!p2 $0x0  }
0x1d: {  	s5 =	simm.s32 @p1 $0x1;
	p0 =	seq.s32 s7, s2  }
0x1e: {  	s7 =	smul.u32 @!p0 $0xF7A, s2;
	p2 =	seq.s32 @!p0 s5, $0x0  }
0x1f: {  	s9 =	smul.u32 $0xF7A, s1;
	s8 =	simm.s32 @!p0 $0x1BF5;
	p2 =	por !p2, p0  }
0x20: {  	[sflag:s8] =	ssyncset.s32 @!p0 $0xFFFFF086;
	s6 =	sadd.s32 @!p0 s3, s7;
	s7 =	simm.s32 @!p0 $0x108  }
0x21: {  	s3 =	sadd.s32 s3, s9;
	s6 =	sadd.s32 @!p0 $0x88, s6;
	s7 =	simm.s32 @p2 $0x1082  }
0x22: {  	[simem:s7], [sflag:s8] =	dma.local @!p0 [hbm:s6], $0xF7A  }
0x23: {  	s9 =	sor.u32 $0xD0000000, s2;
	s6 =	simm.s32 $0x108;
	_ =	swait.ge @!p0 [sflag:s8], $0x0  }
0x24: {  	s3 =	sadd.s32 $0x88, s3;
	s6 =	simm.s32 @!p1 $0x1082;
	[sflag:s4] =	ssyncset.s32 $0xFFFFF086  }
0x25: {  	[simem:s6], [sflag:s4] =	dma.local [hbm:s3], $0xF7A  }
0x26: {  	[smem:$0x3F9F] =	sst s1;
	(tag) =	ssettag s2;
	_ =	strace s9  }
0x27: {  	s1 =	sld [smem:$0x3FAF]  }
0x28: {  	s2 =	sld [smem:$0x3FB0]  }
0x29: {  	s4 =	sld [smem:$0x3FB2]  }
0x2a: {  	p0 =	seq.s32 s5, $0x0;
	s5 =	sld [smem:$0x3FB3]  }
0x2b: {  	s6 =	sld [smem:$0x3FB4]  }
0x2c: {  	s7 =	sld [smem:$0x3FB5]  }
0x2d: {  	s3 =	simm.s32 $0x108;
	s8 =	sld [smem:$0x3FB6]  }
0x2e: {  	s3 =	simm.s32 @!p0 $0x1082;
	s9 =	sld [smem:$0x3FB7]  }
0x2f: {  	lr =	sadd.s32 s0, s3;
	s0 =	sld [smem:$0x3FAE]  }
0x30: {  	s3 =	sld [smem:$0x3FB1]  }
0x31: {  	[smem:$0x3FBA] =	sst s10  }
0x32: {  	s10 =	sld [smem:$0x3FB8];
	_ =	sdelay $0x3  }
0x33: {  	p0 =	seq.s32 s10, $0x1;
	s10 =	sld [smem:$0x3FBA];
	_ =	sdelay $0x3  }
0x34: {  	[smem:$0x3FBA] =	sst s10  }
0x35: {  	s10 =	sld [smem:$0x3FB9];
	_ =	sdelay $0x3  }
0x36: {  	p1 =	seq.s32 s10, $0x1;
	s10 =	sld [smem:$0x3FBA];
	_ =	sdelay $0x3  }
0x37: {  	[smem:$0x3FBA] =	sst s10  }
0x38: {  	s10 =	sld [smem:$0x3FBB]  }
0x39: {  	_ = 	snop;
	(pc) =	sbr.ind lr, $3  }
0x3a: {  	_ = 	snop  }
0x3b: {  	_ = 	snop  }
0x3c: {  	p2 =	seq.s32 s10, $0x1;
	s10 =	sld [smem:$0x3FBA]  }
0x3d: {  	_ =	shalt  }
0x3e: {  	_ =	shalt  }
0x3f: {  	_ =	shalt  }
0x40: {  	_ =	shalt  }
0x41: {  	_ =	shalt  }
0x42: {  	_ =	shalt  }
0x43: {  	_ =	shalt  }
0x44: {  	_ =	shalt  }
0x45: {  	_ =	shalt  }
0x46: {  	_ =	shalt  }
0x47: {  	_ =	shalt  }
0x48: {  	_ =	shalt  }
0x49: {  	_ =	shalt  }
0x4a: {  	_ =	shalt  }
0x4b: {  	_ =	shalt  }
0x4c: {  	_ =	shalt  }
0x4d: {  	_ =	shalt  }
0x4e: {  	_ =	shalt  }
0x4f: {  	_ =	shalt  }
0x50: {  	_ =	shalt  }
0x51: {  	_ =	shalt  }
0x52: {  	_ =	shalt  }
0x53: {  	_ =	shalt  }
0x54: {  	_ =	shalt  }
0x55: {  	_ =	shalt  }
0x56: {  	_ =	shalt  }
0x57: {  	_ =	shalt  }
0x58: {  	_ =	shalt  }
0x59: {  	_ =	shalt  }
0x5a: {  	_ =	shalt  }
0x5b: {  	_ =	shalt  }
0x5c: {  	_ =	shalt  }
0x5d: {  	_ =	shalt  }
0x5e: {  	_ =	shalt  }
0x5f: {  	_ =	shalt  }
0x60: {  	_ =	shalt  }
0x61: {  	_ =	shalt  }
0x62: {  	_ =	shalt  }
0x63: {  	_ =	shalt  }
0x64: {  	_ =	shalt  }
0x65: {  	_ =	shalt  }
0x66: {  	_ =	shalt  }
0x67: {  	_ =	shalt  }
0x68: {  	_ =	shalt  }
0x69: {  	_ =	shalt  }
0x6a: {  	_ =	shalt  }
0x6b: {  	_ =	shalt  }
0x6c: {  	_ =	shalt  }
0x6d: {  	_ =	shalt  }
0x6e: {  	_ =	shalt  }
0x6f: {  	_ =	shalt  }
0x70: {  	_ =	shalt  }
0x71: {  	_ =	shalt  }
0x72: {  	_ =	shalt  }
0x73: {  	_ =	shalt  }
0x74: {  	_ =	shalt  }
0x75: {  	_ =	shalt  }
0x76: {  	_ =	shalt  }
0x77: {  	_ =	shalt  }
0x78: {  	_ =	shalt  }
0x79: {  	_ =	shalt  }
0x7a: {  	_ =	shalt  }
0x7b: {  	_ =	shalt  }
0x7c: {  	_ =	shalt  }
0x7d: {  	_ =	shalt  }
0x7e: {  	_ =	shalt  }
0x7f: {  	_ =	shalt  }
0x80: {  	_ =	shalt  }
0x81: {  	_ =	shalt  }
0x82: {  	_ =	shalt  }
0x83: {  	_ =	shalt  }
0x84: {  	_ =	shalt  }
0x85: {  	_ =	shalt  }
0x86: {  	_ =	shalt  }
0x87: {  	_ =	shalt  }
.Lfunc_end0:
.L_simem_size_0:
called_computation_lowered:
.L_overlay_start_0:
0x88: {  	s2 =	sld [smem:$0x3FD9]  }
0x89: {  	s3 =	sld [smem:$0x3FFE];
	_ =	sdelay $0x1  }
0x8a: {  	s1 =	srdreg.scid  }
0x8b: {  	s0 =	sand.u32 $0x1, s1  }
0x8c: {  	s17 =	sshll.u32 s0, $0xA;
	s2 =	sadd.s32 s3, s2  }
0x8d: {  	s2 =	sadd.s32 s2, s17  }
0x8e: {  	[smem:$0x3FC6] =	sst s2  }
0x8f: {  	_ = 	snop  }
0x90: {  	s2 =	sld [smem:$0x3FC8]  }
0x91: {  	s18 =	sld [smem:$0x3FD0];
	(tm) =	ssettm $0x1  }
0x92: {  	s4 =	sld [smem:$0x3FFB];
	_ =	sdelay $0x3  }
0x93: {  	_ =	strace s4  }
0x94: {  	s4 =	sld [smem:$0x3FFC];
	_ =	sdelay $0x3  }
0x95: {  	_ =	strace s4  }
0x96: {  	s4 =	sld [smem:$0x3FFD];
	_ =	sdelay $0x3  }
0x97: {  	_ =	strace s4  }
0x98: {  	_ =	strace $0x8FFFFFFF  }
0x99: {  	s19 =	sld [smem:$0x3FDB];
	_ =	sdelay $0x1  }
0x9a: {  	s5 =	simm.s32 $_scs_section_size  }
0x9b: {  	s6 =	simm.s32 $_size__tile_overlayer_lowered;
	s7 =	simm.s32 $_tile_overlayer_lowered  }
0x9c: {  	s22 =	simm.s32 $0x1BFF;
	s21 =	sshll.u32 s7, $0x1;
	s4 =	sadd.s32 s5, s19  }
0x9d: {  	s8 =	simm.s32 $0x0;
	s20 =	sshll.u32 s6, $0x1;
	s6 =	sadd.s32 s21, s4  }
0x9e: {  	[timem:s8], [sflag:s22] =	dma.local [hbm:s6], s20  }
0x9f: {  	_ =	swait.ge [sflag:s22], s20  }
0xa0: {  	s5 =	ssub.s32 $0x0, s20;
	[sflag:s22] =	ssyncset.done $0x0  }
0xa1: {  	[sflag:s22] =	ssyncadd.s32 s5;
	_ =	sdelay $0x1  }
0xa2: {  	s23 =	simm.s32 $0x1B8B  }
0xa3: {  	_ =	swait.ge [sflag:s23], $0x1  }
0xa4: {  	[sflag:s23] =	ssyncset.done $0x0  }
0xa5: {  	s25 =	simm.s32 $0x1B8E;
	s24 =	sld [smem:$0x3FFE];
	[sflag:s23] =	ssyncadd.s32 $0xFFFFFFFF  }
0xa6: {  	s26 =	simm.s32 $execute0_lowered;
	[smem:$0x3FD2] =	sst s25  }
0xa7: {  	s6 =	sshll.u32 s26, $0x1;
	_ =	strace $0x80000046;
	[dreg:$0x1] =	wrdreg $0xFFFFFFFF  }
0xa8: {  	s28 =	simm.s32 $_size_execute0_lowered;
	s4 =	sadd.s32 s4, s6;
	[dreg:$0x0] =	wrdreg $0x0  }
0xa9: {  	s6 =	sshll.u32 s28, $0x1;
	[dreg:$0x2] =	wrdreg s4  }
0xaa: {  	[dreg:$0x3] =	wrdreg s6  }
0xab: {  	[dreg:$0x4] =	wrdreg $0xC0  }
0xac: {  	_ =	task [dreg:s8], $0x5FFFF  }
0xad: {  	[dreg:$0x1] =	wrdreg $0xFFFFFFFF  }
0xae: {  	[dreg:$0x0] =	wrdreg $0x60  }
0xaf: {  	[dreg:$0x2] =	wrdreg s2  }
0xb0: {  	[dreg:$0x3] =	wrdreg s24  }
0xb1: {  	[dreg:$0x4] =	wrdreg s18  }
0xb2: {  	[dreg:$0x5] =	wrdreg $0x0  }
0xb3: {  	[dreg:$0x6] =	wrdreg $0x9  }
0xb4: {  	_ =	task.clear_ibuf [dreg:s8], $0x7FFFF;
	_ =	strace $0x90000046  }
0xb5: {  	s29 =	simm.s32 $0x9;
	_ =	strace $0x80000048  }
0xb6: {  	_ =	swait.ge [sflag:s29], $0x1  }
0xb7: {  	[sflag:s29] =	ssyncadd.s32 $0xFFFFFFFF  }
0xb8: {  	_ =	strace $0x90000048  }
0xb9: {  	_ =	sfence  }
0xba: {  	s30 =	sld [smem:$0x0];
	_ =	sdelay $0x2  }
0xbb: {  	s31 =	sshll.u32 s1, $0xD;
	s1 =	sshrl.u32 s1, $0x2  }
0xbc: {  	s3 =	sand.u32 $0x4000, s31;
	s1 =	sadd.s32 s1, s30  }
0xbd: {  	s0 =	sor.u32 s3, s0;
	s1 =	sshll.u32 s1, $0x11  }
0xbe: {  	s0 =	sor.u32 s1, s0  }
0xbf: {  	s0 =	sadd.s32 $0x8F2B, s0  }
0xc0: {  	[sflag:s0] =	ssyncadd.remote.s32 $0x1  }
0xc1: {  	_ =	sfence.sel $0xFFFF  }
0xc2: {  	[dreg:$0x0] =	wrdreg $0xFFFFFFFF;
	(pc) =	sbr.abs _section_cstart, $3  }
0xc3: {  	[dreg:$0x1] =	wrdreg $0xFFFFFFFF  }
0xc4: {  	_ =	task.clear_ibuf [dreg:s8], $0x2FFFF;
	_ =	strace $0x9FFFFFFF  }
0xc5: {  	(tm) =	ssettm $0x7FFFFFFF  }
tec
execute0_lowered:
.L_overlay_start_1:
0x0: {  	(tag) =	ssettag $0x1  }
0x1: {  	s0 =	rddreg [dreg:$0x1];
	s1 =	srdreg.scid  }
0x2: {  	s4 =	stileid.u32;
	s5 =	rddreg [dreg:$0x2]  }
0x3: {  	s2 =	rddreg [dreg:$0x3];
	s28 =	simm.s32 $0x5;
	s30 =	simm.s32 $0x6  }
0x4: {  	s10 =	simm.s32 $0xE;
	s1 =	sand.u32 $0x1, s1;
	s3 =	sshll.u32 s4, $0x1  }
0x5: {  	s11 =	simm.s32 $0xF;
	s18 =	smul.u32 $0x640000, s4;
	s6 =	sor.u32 s1, s3  }
0x6: {  	s12 =	simm.s32 $0x10;
	s3 =	simm.s32 $0x0;
	s7 =	smul.u32 $0x1900, s6  }
0x7: {  	s8 =	ssub.s32 $0x2, s1;
	[smem:$0x7FF] =	sst s3;
	s6 =	smul.u32 $0x320000, s6  }
0x8: {  	s17 =	sshrl.u32 s8, $0x1;
	_ =	strace $0x80000047;
	s0 =	sadd.s32 s7, s0  }
0x9: {  	s6 =	sshrl.u32 s6, $0x3;
	s7 =	ssub.s32 s8, s17;
	s0 =	sadd.s32 $0x400, s0  }
0xa: {  	s6 =	sadd.s32 s5, s6;
	s31 =	smax.u32 s7, $0x1;
	[dreg:$0x7] =	wrdreg s0  }
0xb: {  	s24 =	smul.u32 $0xC8000, s4;
	s19 =	sadd.s32 $0x62000, s6;
	[dreg:$0x10] =	wrdreg s31  }
0xc: {  	p0 =	sne.s32 s4, $0x0;
	s9 =	sadd.s32 $0x62400, s6;
	[dreg:$0x8] =	wrdreg s19  }
0xd: {  	s4 =	simm.s32 $0x8;
	s21 =	sadd.s32 $0x62800, s6;
	[dreg:$0x9] =	wrdreg s9  }
0xe: {  	s20 =	smul.u32 $0x320000, s1;
	s22 =	sadd.s32 $0x62C00, s6;
	[dreg:$0xa] =	wrdreg s21  }
0xf: {  	s1 =	smul.u32 $0x64000, s1;
	s23 =	sadd.s32 $0x63000, s6;
	[dreg:$0xb] =	wrdreg s22  }
0x10: {  	s17 =	simm.s32 $0x40;
	s25 =	sadd.s32 $0x63400, s6;
	[dreg:$0xc] =	wrdreg s23  }
0x11: {  	s8 =	simm.s32 $0xC;
	s26 =	sadd.s32 $0x63800, s6;
	[dreg:$0xd] =	wrdreg s25  }
0x12: {  	s0 =	sadd.s32 s20, s18;
	s6 =	sadd.s32 $0x63C00, s6;
	[dreg:$0xe] =	wrdreg s26  }
0x13: {  	s7 =	simm.s32 $0xB;
	s0 =	sshrl.u32 s0, $0x3;
	[dreg:$0xf] =	wrdreg s6  }
0x14: {  	s21 =	simm.s32 $0x2;
	s23 =	simm.s32 $0x3;
	s25 =	simm.s32 $0x4  }
0x15: {  	s6 =	simm.s32 $0xA;
	s0 =	sadd.s32 s0, s5;
	s5 =	sadd.s32 s24, s5  }
0x16: {  	s9 =	simm.s32 $0xD;
	[dreg:$0x5] =	wrdreg s0;
	s29 =	sadd.s32 s1, s5  }
0x17: {  	s0 =	sshrl.u32 @!p0 s2, $0x3;
	s1 =	simm.s32 $0x7;
	[dreg:$0x6] =	wrdreg s29  }
0x18: {  	s5 =	simm.s32 $0x9;
	[dreg:$0x11] =	wrdreg s0;
	s0 =	simm.s32 $0x0  }
.LBB2_1:
0x19: {  	[dreg:$0x12] =	wrdreg s0  }
0x1a: {  	s14 =	rddreg [dreg:$0x0]  }
0x1b: {  	s13 =	simm.s32 @!p0 $0x1C11;
	s15 =	rddreg [dreg:$0x11]  }
0x1c: {  	[spmem:s15], [sflag:s13] =	dma.local @!p0 [hbm:s14], $0x16F0  }
0x1d: {  	s13 =	simm.s32 @!p0 $0x11  }
0x1e: {  	_ =	swait.ge @!p0 [sflag:s13], $0x16F0  }
0x1f: {  	s19 =	simm.s32 $0xB78;
	[sflag:s13] =	ssyncset.done @!p0 $0x0  }
0x20: {  	s20 =	simm.s32 $0x11;
	s18 =	rddreg [dreg:$0x7];
	[sflag:s13] =	ssyncadd.s32 @!p0 $0xFFFFE910  }
0x21: {  	[tilespmem:s19], [sflag:$0x11] =	stream.linear.gather [hbm4b:s18+s3], $0xC800, $0x38;
	[tilespmem:$0x1D378] =	vst v63  }
0x22: {  	_ =	swait.ge [sflag:s20], $0xC800  }
0x23: {  	[sflag:s20] =	ssyncset.done $0x0  }
0x24: {  	[sflag:s20] =	ssyncadd.s32 $0xFFFF3800  }
0x25: {  	s15 =	simm.s32 $0xD378;
	[bflag:$0x0] =	sbarrier.arrive $0xFFFF  }
0x26: {  	[tilespmem:s15], [sflag:$0x1] =	stream.indirect.gather [spmem:s2], $0x80, s19, s17, $0xb8;
	[tilespmem:$0x1D378] =	vst v63  }
0x27: {  	s22 =	simm.s32 $0xBF8;
	s16 =	simm.s32 $0xF378  }
0x28: {  	[tilespmem:s16], [sflag:$0x2] =	stream.indirect.gather [spmem:s2], $0x80, s22, s17, $0xb8;
	[tilespmem:$0x1D378] =	vst v63  }
0x29: {  	s24 =	simm.s32 $0xC78;
	s18 =	simm.s32 $0x11378  }
0x2a: {  	[tilespmem:s18], [sflag:$0x3] =	stream.indirect.gather [spmem:s2], $0x80, s24, s17, $0xb8;
	[tilespmem:$0x1D378] =	vst v63  }
0x2b: {  	s26 =	simm.s32 $0xCF8;
	s20 =	simm.s32 $0x13378  }
0x2c: {  	[tilespmem:s20], [sflag:$0x4] =	stream.indirect.gather [spmem:s2], $0x80, s26, s17, $0xb8;
	[tilespmem:$0x1D378] =	vst v63  }
0x2d: {  	s29 =	simm.s32 $0xD78;
	s22 =	simm.s32 $0x15378  }
0x2e: {  	[tilespmem:s22], [sflag:$0x5] =	stream.indirect.gather [spmem:s2], $0x80, s29, s17, $0xb8;
	[tilespmem:$0x1D378] =	vst v63  }
0x2f: {  	s31 =	simm.s32 $0xDF8;
	s24 =	simm.s32 $0x17378  }
0x30: {  	[tilespmem:s24], [sflag:$0x6] =	stream.indirect.gather [spmem:s2], $0x80, s31, s17, $0xb8;
	[tilespmem:$0x1D378] =	vst v63  }
0x31: {  	s0 =	simm.s32 $0xE78;
	s26 =	simm.s32 $0x19378  }
0x32: {  	[tilespmem:s26], [sflag:$0x7] =	stream.indirect.gather [spmem:s2], $0x80, s0, s17, $0xb8;
	[tilespmem:$0x1D378] =	vst v63  }
0x33: {  	s14 =	simm.s32 $0xEF8;
	s19 =	simm.s32 $0x1B378;
	s29 =	simm.s32 $0x1  }
0x34: {  	[tilespmem:s19], [sflag:$0x8] =	stream.indirect.gather [spmem:s2], $0x80, s14, s17, $0xb8;
	[tilespmem:$0x1D378] =	vst v63  }
0x35: {  	_ =	swait.ge [sflag:s29], $0x2000  }
0x36: {  	s31 =	rddreg [dreg:$0x5];
	[sflag:s29] =	ssyncset.done $0x0  }
0x37: {  	[sflag:s29] =	ssyncadd.s32 $0xFFFFE000;
	s13 =	sadd.s32 $0x0, s31  }
0x38: {  	[hbm4b:s13+s3] =	stream.linear.scatter [tilespmem:s15], [sflag:$0x9], $0x2000, $0x38;
	[tilespmem:$0x1D378] =	vst v63  }
0x39: {  	_ =	swait.ge [sflag:s21], $0x2000  }
0x3a: {  	s14 =	rddreg [dreg:$0x6]  }
0x3b: {  	[sflag:s21] =	ssyncset.done $0x0;
	s13 =	sadd.s32 $0x0, s14  }
0x3c: {  	[sflag:s21] =	ssyncadd.s32 $0xFFFFE000;
	s29 =	sadd.s32 $0x400, s13  }
0x3d: {  	[hbm4b:s29+s3] =	stream.linear.scatter [tilespmem:s16], [sflag:$0xA], $0x2000, $0x38;
	[tilespmem:$0x1D378] =	vst v63  }
0x3e: {  	_ =	swait.ge [sflag:s23], $0x2000  }
0x3f: {  	[sflag:s23] =	ssyncset.done $0x0  }
0x40: {  	s31 =	sadd.s32 $0x800, s13;
	[sflag:s23] =	ssyncadd.s32 $0xFFFFE000  }
0x41: {  	[hbm4b:s31+s3] =	stream.linear.scatter [tilespmem:s18], [sflag:$0xB], $0x2000, $0x38;
	[tilespmem:$0x1D378] =	vst v63  }
0x42: {  	_ =	swait.ge [sflag:s25], $0x2000  }
0x43: {  	[sflag:s25] =	ssyncset.done $0x0  }
0x44: {  	s0 =	sadd.s32 $0xC00, s13;
	[sflag:s25] =	ssyncadd.s32 $0xFFFFE000  }
0x45: {  	[hbm4b:s0+s3] =	stream.linear.scatter [tilespmem:s20], [sflag:$0xC], $0x2000, $0x38;
	[tilespmem:$0x1D378] =	vst v63  }
0x46: {  	_ =	swait.ge [sflag:s28], $0x2000  }
0x47: {  	[sflag:s28] =	ssyncset.done $0x0  }
0x48: {  	s29 =	sadd.s32 $0x1000, s13;
	[sflag:s28] =	ssyncadd.s32 $0xFFFFE000  }
0x49: {  	[hbm4b:s29+s3] =	stream.linear.scatter [tilespmem:s22], [sflag:$0xD], $0x2000, $0x38;
	[tilespmem:$0x1D378] =	vst v63  }
0x4a: {  	_ =	swait.ge [sflag:s30], $0x2000  }
0x4b: {  	[sflag:s30] =	ssyncset.done $0x0  }
0x4c: {  	s31 =	sadd.s32 $0x1400, s13;
	[sflag:s30] =	ssyncadd.s32 $0xFFFFE000  }
0x4d: {  	[hbm4b:s31+s3] =	stream.linear.scatter [tilespmem:s24], [sflag:$0xE], $0x2000, $0x38;
	[tilespmem:$0x1D378] =	vst v63  }
0x4e: {  	_ =	swait.ge [sflag:s1], $0x2000  }
0x4f: {  	[sflag:s1] =	ssyncset.done $0x0  }
0x50: {  	s0 =	sadd.s32 $0x1800, s13;
	[sflag:s1] =	ssyncadd.s32 $0xFFFFE000  }
0x51: {  	[hbm4b:s0+s3] =	stream.linear.scatter [tilespmem:s26], [sflag:$0xF], $0x2000, $0x38;
	[tilespmem:$0x1D378] =	vst v63  }
0x52: {  	_ =	swait.ge [sflag:s4], $0x2000  }
0x53: {  	[sflag:s4] =	ssyncset.done $0x0  }
0x54: {  	s13 =	sadd.s32 $0x1C00, s13;
	[sflag:s4] =	ssyncadd.s32 $0xFFFFE000  }
0x55: {  	[hbm4b:s13+s3] =	stream.linear.scatter [tilespmem:s19], [sflag:$0x10], $0x2000, $0x38;
	[tilespmem:$0x1D378] =	vst v63  }
0x56: {  	_ =	swait.ge [sflag:s5], $0x2000  }
0x57: {  	[sflag:s5] =	ssyncset.done $0x0  }
0x58: {  	s14 =	simm.s32 $0xF78;
	[sflag:s5] =	ssyncadd.s32 $0xFFFFE000  }
0x59: {  	[tilespmem:s15], [sflag:$0x1] =	stream.indirect.gather [spmem:s2], $0x80, s14, s17, $0xb8;
	[tilespmem:$0x1D378] =	vst v63  }
0x5a: {  	_ =	swait.ge [sflag:s6], $0x2000  }
0x5b: {  	[sflag:s6] =	ssyncset.done $0x0  }
0x5c: {  	s15 =	simm.s32 $0xFF8;
	[sflag:s6] =	ssyncadd.s32 $0xFFFFE000  }
0x5d: {  	[tilespmem:s16], [sflag:$0x2] =	stream.indirect.gather [spmem:s2], $0x80, s15, s17, $0xb8;
	[tilespmem:$0x1D378] =	vst v63  }
0x5e: {  	_ =	swait.ge [sflag:s7], $0x2000  }
0x5f: {  	[sflag:s7] =	ssyncset.done $0x0  }
0x60: {  	s16 =	simm.s32 $0x1078;
	[sflag:s7] =	ssyncadd.s32 $0xFFFFE000  }
0x61: {  	[tilespmem:s18], [sflag:$0x3] =	stream.indirect.gather [spmem:s2], $0x80, s16, s17, $0xb8;
	[tilespmem:$0x1D378] =	vst v63  }
0x62: {  	_ =	swait.ge [sflag:s8], $0x2000  }
0x63: {  	[sflag:s8] =	ssyncset.done $0x0  }
0x64: {  	s19 =	simm.s32 $0x10F8;
	[sflag:s8] =	ssyncadd.s32 $0xFFFFE000  }
0x65: {  	[tilespmem:s20], [sflag:$0x4] =	stream.indirect.gather [spmem:s2], $0x80, s19, s17, $0xb8;
	[tilespmem:$0x1D378] =	vst v63  }
0x66: {  	_ =	swait.ge [sflag:s9], $0x2000  }
0x67: {  	[sflag:s9] =	ssyncset.done $0x0  }
0x68: {  	s20 =	simm.s32 $0x1178;
	[sflag:s9] =	ssyncadd.s32 $0xFFFFE000  }
0x69: {  	[tilespmem:s22], [sflag:$0x5] =	stream.indirect.gather [spmem:s2], $0x80, s20, s17, $0xb8;
	[tilespmem:$0x1D378] =	vst v63  }
0x6a: {  	_ =	swait.ge [sflag:s10], $0x2000  }
0x6b: {  	[sflag:s10] =	ssyncset.done $0x0  }
0x6c: {  	s29 =	simm.s32 $0x11F8;
	[sflag:s10] =	ssyncadd.s32 $0xFFFFE000  }
0x6d: {  	[tilespmem:s24], [sflag:$0x6] =	stream.indirect.gather [spmem:s2], $0x80, s29, s17, $0xb8;
	[tilespmem:$0x1D378] =	vst v63  }
0x6e: {  	_ =	swait.ge [sflag:s11], $0x2000  }
0x6f: {  	[sflag:s11] =	ssyncset.done $0x0  }
0x70: {  	s31 =	simm.s32 $0x1278;
	[sflag:s11] =	ssyncadd.s32 $0xFFFFE000  }
0x71: {  	[tilespmem:s26], [sflag:$0x7] =	stream.indirect.gather [spmem:s2], $0x80, s31, s17, $0xb8;
	[tilespmem:$0x1D378] =	vst v63  }
0x72: {  	_ =	swait.ge [sflag:s12], $0x2000  }
0x73: {  	s13 =	simm.s32 $0x12F8;
	[sflag:s12] =	ssyncset.done $0x0  }
0x74: {  	s14 =	simm.s32 $0x2000;
	s16 =	simm.s32 $0x16F8;
	[sflag:s12] =	ssyncadd.s32 $0xFFFFE000  }
.LBB2_2:
0x75: {  	s19 =	simm.s32 $0x1B378;
	s0 =	simm.s32 $0x1  }
0x76: {  	[tilespmem:s19], [sflag:$0x8] =	stream.indirect.gather [spmem:s2], $0x80, s13, s17, $0xb8;
	[tilespmem:$0x1D378] =	vst v63  }
0x77: {  	_ =	swait.ge [sflag:s0], $0x2000  }
0x78: {  	s15 =	smov.u32 s14;
	s18 =	rddreg [dreg:$0x5];
	[sflag:s0] =	ssyncset.done $0x0  }
0x79: {  	s20 =	simm.s32 $0xD378;
	[sflag:s0] =	ssyncadd.s32 $0xFFFFE000;
	s18 =	sadd.s32 s15, s18  }
0x7a: {  	[hbm4b:s18+s3] =	stream.linear.scatter [tilespmem:s20], [sflag:$0x9], $0x2000, $0x38;
	[tilespmem:$0x1D378] =	vst v63  }
0x7b: {  	_ =	swait.ge [sflag:s21], $0x2000  }
0x7c: {  	s24 =	rddreg [dreg:$0x6]  }
0x7d: {  	[sflag:s21] =	ssyncset.done $0x0;
	s15 =	sadd.s32 s15, s24  }
0x7e: {  	s22 =	simm.s32 $0xF378;
	[sflag:s21] =	ssyncadd.s32 $0xFFFFE000;
	s18 =	sadd.s32 $0x400, s15  }
0x7f: {  	[hbm4b:s18+s3] =	stream.linear.scatter [tilespmem:s22], [sflag:$0xA], $0x2000, $0x38;
	[tilespmem:$0x1D378] =	vst v63  }
0x80: {  	_ =	swait.ge [sflag:s23], $0x2000  }
0x81: {  	[sflag:s23] =	ssyncset.done $0x0  }
0x82: {  	s24 =	simm.s32 $0x11378;
	s26 =	sadd.s32 $0x800, s15;
	[sflag:s23] =	ssyncadd.s32 $0xFFFFE000  }
0x83: {  	[hbm4b:s26+s3] =	stream.linear.scatter [tilespmem:s24], [sflag:$0xB], $0x2000, $0x38;
	[tilespmem:$0x1D378] =	vst v63  }
0x84: {  	_ =	swait.ge [sflag:s25], $0x2000  }
0x85: {  	[sflag:s25] =	ssyncset.done $0x0  }
0x86: {  	s0 =	sadd.s32 $0xC00, s15;
	s26 =	simm.s32 $0x13378;
	[sflag:s25] =	ssyncadd.s32 $0xFFFFE000  }
0x87: {  	[hbm4b:s0+s3] =	stream.linear.scatter [tilespmem:s26], [sflag:$0xC], $0x2000, $0x38;
	[tilespmem:$0x1D378] =	vst v63  }
0x88: {  	_ =	swait.ge [sflag:s28], $0x2000  }
0x89: {  	[sflag:s28] =	ssyncset.done $0x0  }
0x8a: {  	s29 =	simm.s32 $0x15378;
	s0 =	sadd.s32 $0x1000, s15;
	[sflag:s28] =	ssyncadd.s32 $0xFFFFE000  }
0x8b: {  	[hbm4b:s0+s3] =	stream.linear.scatter [tilespmem:s29], [sflag:$0xD], $0x2000, $0x38;
	[tilespmem:$0x1D378] =	vst v63  }
0x8c: {  	_ =	swait.ge [sflag:s30], $0x2000  }
0x8d: {  	[sflag:s30] =	ssyncset.done $0x0  }
0x8e: {  	s31 =	simm.s32 $0x17378;
	s0 =	sadd.s32 $0x1400, s15;
	[sflag:s30] =	ssyncadd.s32 $0xFFFFE000  }
0x8f: {  	[hbm4b:s0+s3] =	stream.linear.scatter [tilespmem:s31], [sflag:$0xE], $0x2000, $0x38;
	[tilespmem:$0x1D378] =	vst v63  }
0x90: {  	_ =	swait.ge [sflag:s1], $0x2000  }
0x91: {  	[sflag:s1] =	ssyncset.done $0x0  }
0x92: {  	s18 =	sadd.s32 $0x1800, s15;
	s0 =	simm.s32 $0x19378;
	[sflag:s1] =	ssyncadd.s32 $0xFFFFE000  }
0x93: {  	[hbm4b:s18+s3] =	stream.linear.scatter [tilespmem:s0], [sflag:$0xF], $0x2000, $0x38;
	[tilespmem:$0x1D378] =	vst v63  }
0x94: {  	_ =	swait.ge [sflag:s4], $0x2000  }
0x95: {  	[sflag:s4] =	ssyncset.done $0x0  }
0x96: {  	s15 =	sadd.s32 $0x1C00, s15;
	[sflag:s4] =	ssyncadd.s32 $0xFFFFE000  }
0x97: {  	[hbm4b:s15+s3] =	stream.linear.scatter [tilespmem:s19], [sflag:$0x10], $0x2000, $0x38;
	[tilespmem:$0x1D378] =	vst v63  }
0x98: {  	_ =	swait.ge [sflag:s5], $0x2000  }
0x99: {  	[sflag:s5] =	ssyncset.done $0x0  }
0x9a: {  	s19 =	sadd.s32 $0xFFFFFC80, s16;
	[sflag:s5] =	ssyncadd.s32 $0xFFFFE000  }
0x9b: {  	[tilespmem:s20], [sflag:$0x1] =	stream.indirect.gather [spmem:s2], $0x80, s19, s17, $0xb8;
	[tilespmem:$0x1D378] =	vst v63  }
0x9c: {  	_ =	swait.ge [sflag:s6], $0x2000  }
0x9d: {  	[sflag:s6] =	ssyncset.done $0x0  }
0x9e: {  	s19 =	sadd.s32 $0xFFFFFD00, s16;
	[sflag:s6] =	ssyncadd.s32 $0xFFFFE000  }
0x9f: {  	[tilespmem:s22], [sflag:$0x2] =	stream.indirect.gather [spmem:s2], $0x80, s19, s17, $0xb8;
	[tilespmem:$0x1D378] =	vst v63  }
0xa0: {  	_ =	swait.ge [sflag:s7], $0x2000  }
0xa1: {  	[sflag:s7] =	ssyncset.done $0x0  }
0xa2: {  	s19 =	sadd.s32 $0xFFFFFD80, s16;
	[sflag:s7] =	ssyncadd.s32 $0xFFFFE000  }
0xa3: {  	[tilespmem:s24], [sflag:$0x3] =	stream.indirect.gather [spmem:s2], $0x80, s19, s17, $0xb8;
	[tilespmem:$0x1D378] =	vst v63  }
0xa4: {  	_ =	swait.ge [sflag:s8], $0x2000  }
0xa5: {  	[sflag:s8] =	ssyncset.done $0x0  }
0xa6: {  	s19 =	sadd.s32 $0xFFFFFE00, s16;
	[sflag:s8] =	ssyncadd.s32 $0xFFFFE000  }
0xa7: {  	[tilespmem:s26], [sflag:$0x4] =	stream.indirect.gather [spmem:s2], $0x80, s19, s17, $0xb8;
	[tilespmem:$0x1D378] =	vst v63  }
0xa8: {  	_ =	swait.ge [sflag:s9], $0x2000  }
0xa9: {  	[sflag:s9] =	ssyncset.done $0x0  }
0xaa: {  	s19 =	sadd.s32 $0xFFFFFE80, s16;
	[sflag:s9] =	ssyncadd.s32 $0xFFFFE000  }
0xab: {  	[tilespmem:s29], [sflag:$0x5] =	stream.indirect.gather [spmem:s2], $0x80, s19, s17, $0xb8;
	[tilespmem:$0x1D378] =	vst v63  }
0xac: {  	_ =	swait.ge [sflag:s10], $0x2000  }
0xad: {  	[sflag:s10] =	ssyncset.done $0x0  }
0xae: {  	p1 =	sne.s32 s14, $0x60000;
	s19 =	sadd.s32 $0xFFFFFF00, s16;
	[sflag:s10] =	ssyncadd.s32 $0xFFFFE000  }
0xaf: {  	[tilespmem:s31], [sflag:$0x6] =	stream.indirect.gather [spmem:s2], $0x80, s19, s17, $0xb8;
	[tilespmem:$0x1D378] =	vst v63  }
0xb0: {  	s14 =	sadd.s32 $0x2000, s14;
	s13 =	smov.u32 s16;
	_ =	swait.ge [sflag:s11], $0x2000  }
0xb1: {  	s18 =	simm.s32 $0xD378;
	s20 =	simm.s32 $0xF378;
	[sflag:s11] =	ssyncset.done $0x0  }
.Ltmp0:
0xb2: {  	s19 =	sadd.s32 $0xFFFFFF80, s16;
	[sflag:s11] =	ssyncadd.s32 $0xFFFFE000;
	(pc) =	sbr.rel @p1 .LBB2_2-.Ltmp0, $4  }
0xb3: {  	[tilespmem:s0], [sflag:$0x7] =	stream.indirect.gather [spmem:s2], $0x80, s19, s17, $0xb8;
	[tilespmem:$0x1D378] =	vst v63  }
0xb4: {  	s22 =	simm.s32 $0x11378;
	s24 =	simm.s32 $0x13378;
	_ =	swait.ge [sflag:s12], $0x2000  }
0xb5: {  	s26 =	simm.s32 $0x15378;
	s29 =	simm.s32 $0x17378;
	[sflag:s12] =	ssyncset.done $0x0  }
0xb6: {  	s31 =	simm.s32 $0x19378;
	s16 =	sadd.s32 $0x400, s16;
	[sflag:s12] =	ssyncadd.s32 $0xFFFFE000  }
0xb7: {  	s0 =	simm.s32 $0x1B378;
	s14 =	simm.s32 $0x1  }
0xb8: {  	[tilespmem:s0], [sflag:$0x8] =	stream.indirect.gather [spmem:s2], $0x80, s13, s17, $0xb8;
	[tilespmem:$0x1D378] =	vst v63  }
0xb9: {  	_ =	swait.ge [sflag:s14], $0x2000  }
0xba: {  	[sflag:s14] =	ssyncset.done $0x0  }
0xbb: {  	s15 =	rddreg [dreg:$0x8];
	[sflag:s14] =	ssyncadd.s32 $0xFFFFE000  }
0xbc: {  	[hbm4b:s15+s3] =	stream.linear.scatter [tilespmem:s18], [sflag:$0x9], $0x2000, $0x38;
	[tilespmem:$0x1D378] =	vst v63  }
0xbd: {  	_ =	swait.ge [sflag:s21], $0x2000  }
0xbe: {  	[sflag:s21] =	ssyncset.done $0x0  }
0xbf: {  	s16 =	rddreg [dreg:$0x9];
	[sflag:s21] =	ssyncadd.s32 $0xFFFFE000  }
0xc0: {  	[hbm4b:s16+s3] =	stream.linear.scatter [tilespmem:s20], [sflag:$0xA], $0x2000, $0x38;
	[tilespmem:$0x1D378] =	vst v63  }
0xc1: {  	_ =	swait.ge [sflag:s23], $0x2000  }
0xc2: {  	[sflag:s23] =	ssyncset.done $0x0  }
0xc3: {  	s18 =	rddreg [dreg:$0xa];
	[sflag:s23] =	ssyncadd.s32 $0xFFFFE000  }
0xc4: {  	[hbm4b:s18+s3] =	stream.linear.scatter [tilespmem:s22], [sflag:$0xB], $0x2000, $0x38;
	[tilespmem:$0x1D378] =	vst v63  }
0xc5: {  	_ =	swait.ge [sflag:s25], $0x2000  }
0xc6: {  	[sflag:s25] =	ssyncset.done $0x0  }
0xc7: {  	s19 =	rddreg [dreg:$0xb];
	[sflag:s25] =	ssyncadd.s32 $0xFFFFE000  }
0xc8: {  	[hbm4b:s19+s3] =	stream.linear.scatter [tilespmem:s24], [sflag:$0xC], $0x2000, $0x38;
	[tilespmem:$0x1D378] =	vst v63  }
0xc9: {  	_ =	swait.ge [sflag:s28], $0x2000  }
0xca: {  	[sflag:s28] =	ssyncset.done $0x0  }
0xcb: {  	s20 =	rddreg [dreg:$0xc];
	[sflag:s28] =	ssyncadd.s32 $0xFFFFE000  }
0xcc: {  	[hbm4b:s20+s3] =	stream.linear.scatter [tilespmem:s26], [sflag:$0xD], $0x2000, $0x38;
	[tilespmem:$0x1D378] =	vst v63  }
0xcd: {  	_ =	swait.ge [sflag:s30], $0x2000  }
0xce: {  	[sflag:s30] =	ssyncset.done $0x0  }
0xcf: {  	s22 =	rddreg [dreg:$0xd];
	[sflag:s30] =	ssyncadd.s32 $0xFFFFE000  }
0xd0: {  	[hbm4b:s22+s3] =	stream.linear.scatter [tilespmem:s29], [sflag:$0xE], $0x2000, $0x38;
	[tilespmem:$0x1D378] =	vst v63  }
0xd1: {  	_ =	swait.ge [sflag:s1], $0x2000  }
0xd2: {  	[sflag:s1] =	ssyncset.done $0x0  }
0xd3: {  	s24 =	rddreg [dreg:$0xe];
	[sflag:s1] =	ssyncadd.s32 $0xFFFFE000  }
0xd4: {  	[hbm4b:s24+s3] =	stream.linear.scatter [tilespmem:s31], [sflag:$0xF], $0x2000, $0x38;
	[tilespmem:$0x1D378] =	vst v63  }
0xd5: {  	_ =	swait.ge [sflag:s4], $0x2000  }
0xd6: {  	[sflag:s4] =	ssyncset.done $0x0  }
0xd7: {  	s26 =	rddreg [dreg:$0xf];
	[sflag:s4] =	ssyncadd.s32 $0xFFFFE000  }
0xd8: {  	[hbm4b:s26+s3] =	stream.linear.scatter [tilespmem:s0], [sflag:$0x10], $0x2000, $0x38;
	[tilespmem:$0x1D378] =	vst v63  }
0xd9: {  	_ =	swait.ge [sflag:s5], $0x2000  }
0xda: {  	[sflag:s5] =	ssyncset.done $0x0  }
0xdb: {  	[sflag:s5] =	ssyncadd.s32 $0xFFFFE000  }
0xdc: {  	_ =	swait.ge [sflag:s6], $0x2000  }
0xdd: {  	[sflag:s6] =	ssyncset.done $0x0  }
0xde: {  	[sflag:s6] =	ssyncadd.s32 $0xFFFFE000  }
0xdf: {  	_ =	swait.ge [sflag:s7], $0x2000  }
0xe0: {  	[sflag:s7] =	ssyncset.done $0x0  }
0xe1: {  	[sflag:s7] =	ssyncadd.s32 $0xFFFFE000  }
0xe2: {  	_ =	swait.ge [sflag:s8], $0x2000  }
0xe3: {  	[sflag:s8] =	ssyncset.done $0x0  }
0xe4: {  	[sflag:s8] =	ssyncadd.s32 $0xFFFFE000  }
0xe5: {  	_ =	swait.ge [sflag:s9], $0x2000  }
0xe6: {  	[sflag:s9] =	ssyncset.done $0x0  }
0xe7: {  	[sflag:s9] =	ssyncadd.s32 $0xFFFFE000  }
0xe8: {  	_ =	swait.ge [sflag:s10], $0x2000  }
0xe9: {  	[sflag:s10] =	ssyncset.done $0x0  }
0xea: {  	[sflag:s10] =	ssyncadd.s32 $0xFFFFE000  }
0xeb: {  	_ =	swait.ge [sflag:s11], $0x2000  }
0xec: {  	[sflag:s11] =	ssyncset.done $0x0  }
0xed: {  	[sflag:s11] =	ssyncadd.s32 $0xFFFFE000  }
0xee: {  	_ =	swait.ge [sflag:s12], $0x2000  }
0xef: {  	s29 =	rddreg [dreg:$0x12]  }
0xf0: {  	s31 =	rddreg [dreg:$0x10];
	s0 =	sadd.s32 $0x1, s29  }
0xf1: {  	p1 =	sne.s32 s0, s31  }
.Ltmp1:
0xf2: {  	_ = 	snop;
	(pc) =	sbr.rel @p1 .LBB2_1-.Ltmp1, $3  }
0xf3: {  	_ =	sdelay $0x1  }
0xf4: {  	[sflag:s12] =	ssyncset.done $0x0  }
0xf5: {  	[sflag:s12] =	ssyncadd.s32 $0xFFFFE000  }
0xf6: {  	_ =	sfence.sel $0x180000  }
0xf7: {  	[bflag:$0x0] =	sbarrier.arrive $0xFFFF  }
0xf8: {  	_ =	strace $0x90000047  }
0xf9: {  	[bflag:$0x2] =	sbarrier.arrive $0xFFFF  }
0xfa: {  	s0 =	rddreg [dreg:$0x4]  }
0xfb: {  	s0 =	sadd.s32 @!p0 $0x100000, s0  }
0xfc: {  	[sflag:s0] =	ssyncadd.tile.s32 @!p0 $0x1;
	_ =	shalt  }
.Lfunc_end2:
_tile_overlayer_lowered:
.L_overlay_start_2:
0xfd: {  	(tag) =	ssettag $0x2  }
0xfe: {  	s0 =	rddreg [dreg:$0x0];
	s2 =	stileid.u32  }
0xff: {  	s1 =	rddreg [dreg:$0x1];
	p0 =	sne.s32 s2, $0x0  }
0x100: {  	s3 =	rddreg [dreg:$0x2];
	[bflag:$0x3] =	sbarrier.arrive $0xFFFF;
	s2 =	simm.s32 @!p0 $0x1C11  }
0x101: {  	[timem:s3], [sflag:s2] =	dma.local @!p0 [hbm:s0], s1  }
0x102: {  	s0 =	simm.s32 @!p0 $0x11  }
0x103: {  	_ =	swait.ge @!p0 [sflag:s0], s1  }
0x104: {  	s1 =	ssub.s32 @!p0 $0x0, s1;
	[sflag:s0] =	ssyncset.done @!p0 $0x0  }
0x105: {  	[sflag:s0] =	ssyncadd.s32 @!p0 s1  }
0x106: {  	[bflag:$0x3] =	sbarrier.arrive $0xFFFF  }
0x107: {  	_ =	shalt  }

</sc_bundles>
